<compile_context>
chip_gen: v7x
topology: tpu7x:2x2x1
jax: 0.10.2.dev20260603
libtpu: 0.0.44.dev20260713+nightly
codegen_flags: <defaults>
</compile_context>

<pallas_src>
import jax
import jax.numpy as jnp
from jax import lax
from jax.experimental import pallas as pl
from jax.experimental.pallas import tpu as pltpu
from jax.experimental.pallas import tpu_sc as plsc

_N, _D, _E, _H, _M = 8192, 1024, 8, 128, 1024
_BN = 512
_GRID = _N // _BN
_NTOK = _N // 32

_mesh = plsc.VectorSubcoreMesh(core_axis_name="c", subcore_axis_name="s")
_sc_params = pltpu.CompilerParams(needs_layout_passes=False)


def _iota16():
    return lax.iota(jnp.int32, 16)


def _splat(x, dtype=jnp.float32):
    return jnp.full((16,), x, dtype=dtype)


def _logits_body(x_ref, wg_ref, lg_ref):
    lg_ref[...] = jnp.dot(x_ref[...], wg_ref[...],
                          preferred_element_type=jnp.float32)


def _route_body(lg_hbm, i1_hbm, i2_hbm, g1_hbm, g2_hbm,
                lgv, i1v, i2v, g1v, g2v, sem):
    wid = lax.axis_index("s") * 2 + lax.axis_index("c")
    base = wid * _NTOK
    pltpu.sync_copy(lg_hbm.at[pl.ds(base, _NTOK), :], lgv)
    it = _iota16()

    def group(g, carry):
        toks = g * 16 + it
        lv = [plsc.load_gather(lgv, [toks, _splat(e, jnp.int32)])
              for e in range(_E)]
        m1 = lv[0]
        i1 = _splat(0, jnp.int32)
        for e in range(1, _E):
            better = lv[e] > m1
            m1 = jnp.where(better, lv[e], m1)
            i1 = jnp.where(better, e, i1)
        m2 = _splat(-3e38)
        i2 = _splat(0, jnp.int32)
        for e in range(_E):
            ok = (i1 != e) & (lv[e] > m2)
            m2 = jnp.where(ok, lv[e], m2)
            i2 = jnp.where(ok, e, i2)
        d = jnp.exp(m2 - m1)
        g1 = 1.0 / (1.0 + d)
        g2 = 1.0 - g1
        sl = pl.ds(g * 16, 16)
        i1v[sl] = i1
        i2v[sl] = i2
        g1v[sl] = g1
        g2v[sl] = g2
        return carry

    lax.fori_loop(0, _NTOK // 16, group, 0)

    pltpu.sync_copy(i1v, i1_hbm.at[pl.ds(base, _NTOK)])
    pltpu.sync_copy(i2v, i2_hbm.at[pl.ds(base, _NTOK)])
    pltpu.sync_copy(g1v, g1_hbm.at[pl.ds(base, _NTOK)])
    pltpu.sync_copy(g2v, g2_hbm.at[pl.ds(base, _NTOK)])


def _expert_body(x_ref, i1_ref, i2_ref, g1_ref, g2_ref, w1_ref, w2_ref,
                 wo_ref, out_ref, loss_ref, imp_ref, load_ref):
    pid = pl.program_id(0)
    x = x_ref[...]
    ids = jax.lax.broadcasted_iota(jnp.int32, (_BN, _E), 1)
    i1 = i1_ref[...]
    i2 = i2_ref[...]
    g1 = g1_ref[...]
    g2 = g2_ref[...]
    oh1 = (ids == i1).astype(jnp.float32)
    oh2 = (ids == i2).astype(jnp.float32)
    gates = oh1 * g1 + oh2 * g2

    @pl.when(pid == 0)
    def _():
        imp_ref[...] = jnp.zeros_like(imp_ref)
        load_ref[...] = jnp.zeros_like(load_ref)

    imp_ref[...] += jnp.sum(gates, axis=0, keepdims=True)
    load_ref[...] += jnp.sum((gates > 0).astype(jnp.float32), axis=0,
                             keepdims=True)

    xb = x.astype(jnp.bfloat16)
    h_all = jnp.maximum(
        jnp.dot(xb, w1_ref[...], preferred_element_type=jnp.float32), 0.0)
    hb_all = h_all.astype(jnp.bfloat16)

    acc = jnp.zeros((_BN, _M), dtype=jnp.float32)
    for e in range(_E):
        h = hb_all[:, e * _H:(e + 1) * _H]
        z = jnp.dot(h, w2_ref[e], preferred_element_type=jnp.float32)
        mx = jnp.max(z, axis=1, keepdims=True)
        ez = jnp.exp(z - mx)
        s = jnp.sum(ez, axis=1, keepdims=True)
        ge = gates[:, e:e + 1]
        acc = acc + ez * (ge / s)

    out_ref[...] = jnp.dot(acc, wo_ref[...],
                           preferred_element_type=jnp.float32)

    @pl.when(pid == _GRID - 1)
    def _():
        def cv2(v):
            m = jnp.sum(v) / _E
            d = v - m
            var = jnp.sum(d * d) / (_E - 1)
            return var / (m * m + 1e-10)
        loss = (cv2(imp_ref[...]) + cv2(load_ref[...])) * 1e-2
        loss_ref[...] = jnp.full((1, 1), loss, dtype=jnp.float32)


def kernel(num_prop, cat_prop, w_gate, W1, b1, W2, b2, Wo, bo):
    f32 = jnp.float32
    i32 = jnp.int32
    w1 = jnp.transpose(W1, (1, 0, 2)).reshape(_D, _E * _H).astype(jnp.bfloat16)
    w2 = W2.astype(jnp.bfloat16)

    lg = pl.pallas_call(
        _logits_body,
        grid=(_N // 1024,),
        in_specs=[
            pl.BlockSpec((1024, _D), lambda i: (i, 0)),
            pl.BlockSpec((_D, _E), lambda i: (0, 0)),
        ],
        out_specs=pl.BlockSpec((1024, _E), lambda i: (i, 0)),
        out_shape=jax.ShapeDtypeStruct((_N, _E), f32),
    )(num_prop, w_gate)

    route = pl.kernel(
        _route_body, mesh=_mesh, compiler_params=_sc_params,
        out_type=[
            jax.ShapeDtypeStruct((_N,), i32),
            jax.ShapeDtypeStruct((_N,), i32),
            jax.ShapeDtypeStruct((_N,), f32),
            jax.ShapeDtypeStruct((_N,), f32),
        ],
        scratch_types=[
            pltpu.VMEM((_NTOK, _E), f32),
            pltpu.VMEM((_NTOK,), i32),
            pltpu.VMEM((_NTOK,), i32),
            pltpu.VMEM((_NTOK,), f32),
            pltpu.VMEM((_NTOK,), f32),
            pltpu.SemaphoreType.DMA,
        ],
    )
    i1a, i2a, g1a, g2a = route(lg)

    out, loss = pl.pallas_call(
        _expert_body,
        grid=(_GRID,),
        in_specs=[
            pl.BlockSpec((_BN, _D), lambda i: (i, 0)),
            pl.BlockSpec((_BN, 1), lambda i: (i, 0)),
            pl.BlockSpec((_BN, 1), lambda i: (i, 0)),
            pl.BlockSpec((_BN, 1), lambda i: (i, 0)),
            pl.BlockSpec((_BN, 1), lambda i: (i, 0)),
            pl.BlockSpec((_D, _E * _H), lambda i: (0, 0)),
            pl.BlockSpec((_E, _H, _M), lambda i: (0, 0, 0)),
            pl.BlockSpec((_M, 2), lambda i: (0, 0)),
        ],
        out_specs=[
            pl.BlockSpec((_BN, 2), lambda i: (i, 0)),
            pl.BlockSpec((1, 1), lambda i: (0, 0)),
        ],
        out_shape=[
            jax.ShapeDtypeStruct((_N, 2), f32),
            jax.ShapeDtypeStruct((1, 1), f32),
        ],
        scratch_shapes=[
            pltpu.VMEM((1, _E), f32),
            pltpu.VMEM((1, _E), f32),
        ],
        compiler_params=pltpu.CompilerParams(
            dimension_semantics=("arbitrary",)),
    )(num_prop, i1a.reshape(_N, 1), i2a.reshape(_N, 1),
      g1a.reshape(_N, 1), g2a.reshape(_N, 1), w1, w2, Wo)

    return out, loss[0, 0]

# --- scband reference (transcript-rebuilt; emitter-appended) ---
"""Pipeline reference for scband-dee-pro-bot-mo-e-52518860095672 (READ-ONLY COPY).

The authoritative reference and input builder live on the scoring server;
editing this copy changes nothing except your own understanding.
"""

import jax, jax.numpy as jnp
import numpy as np

N = 8192
D = 1024      # num_prop_size
E = 8         # expert_size (num_experts)
K = 2         # top-k
H = 128       # hidden size hardcoded in DeeProBot_MoE
MOE_OUT = 1024
OUT = 2


def setup_inputs(seed: int = 0) -> dict:
    key = jax.random.key(seed)
    ks = jax.random.split(key, 10)
    num_prop = jax.random.normal(ks[0], (N, D), dtype=jnp.float32)
    cat_prop = jax.random.normal(ks[1], (N, 3), dtype=jnp.float32)  # unused by forward
    # gating weight (torch init is zeros; use small random so top-k routing is nontrivial)
    w_gate = jax.random.normal(ks[2], (D, E), dtype=jnp.float32) * 0.02
    # per-expert MLP: Linear(D,H) -> ReLU -> Linear(H,MOE_OUT) -> Softmax(dim=1)
    W1 = jax.random.normal(ks[3], (E, D, H), dtype=jnp.float32) * (1.0 / np.sqrt(D))
    b1 = jnp.zeros((E, H), dtype=jnp.float32)
    W2 = jax.random.normal(ks[4], (E, H, MOE_OUT), dtype=jnp.float32) * (1.0 / np.sqrt(H))
    b2 = jnp.zeros((E, MOE_OUT), dtype=jnp.float32)
    # output head Linear(MOE_OUT, OUT)
    Wo = jax.random.normal(ks[5], (MOE_OUT, OUT), dtype=jnp.float32) * (1.0 / np.sqrt(MOE_OUT))
    bo = jnp.zeros((OUT,), dtype=jnp.float32)
    return {"num_prop": num_prop, "cat_prop": cat_prop, "w_gate": w_gate,
            "W1": W1, "b1": b1, "W2": W2, "b2": b2, "Wo": Wo, "bo": bo}


def _cv_squared(x):
    eps = 1e-10
    return jnp.var(x, ddof=1) / (jnp.mean(x) ** 2 + eps)


def reference(num_prop, cat_prop, w_gate, W1, b1, W2, b2, Wo, bo):
    # eval mode: dropout is identity; noisy gating uses clean logits
    x = num_prop
    n = x.shape[0]
    logits = x @ w_gate                              # [N, E]
    m = min(K + 1, E)
    top_logits, top_idx = jax.lax.top_k(logits, m)   # [N, K+1]
    top_k_logits = top_logits[:, :K]
    top_k_idx = top_idx[:, :K]
    top_k_gates = jax.nn.softmax(top_k_logits, axis=1)
    gates = jnp.zeros((n, E), dtype=x.dtype).at[
        jnp.arange(n)[:, None], top_k_idx].set(top_k_gates)  # [N, E]
    importance = gates.sum(axis=0)
    load = (gates > 0).astype(jnp.float32).sum(axis=0)  # eval-mode load
    loss = (_cv_squared(importance) + _cv_squared(load)) * 1e-2
    # experts: math-equivalent dense evaluation weighted by (sparse) gates
    h = jax.nn.relu(jnp.einsum('nd,edh->enh', x, W1) + b1[:, None, :])
    o = jax.nn.softmax(jnp.einsum('enh,ehm->enm', h, W2) + b2[:, None, :], axis=-1)
    y = jnp.einsum('ne,enm->nm', gates, o)           # [N, MOE_OUT]
    out = y @ Wo + bo                                # [N, 2]
    return out, loss

if __name__ == "__main__":
    import jax
    _d = setup_inputs()
    print(jax.jit(kernel)(*tuple(_d.values())))

</pallas_src>

<mosaic_0001>
#map = affine_map<(d0, d1) -> (0, 0)>
#map1 = affine_map<(d0, d1) -> (0)>
module attributes {stable_mosaic.version = 14 : i64} {
  func.func @_route_body(%arg0: i32, %arg1: i32, %arg2: memref<8192x8xf32, #tpu.memory_space<hbm>>, %arg3: memref<8192xi32, #tpu.memory_space<hbm>>, %arg4: memref<8192xi32, #tpu.memory_space<hbm>>, %arg5: memref<8192xf32, #tpu.memory_space<hbm>>, %arg6: memref<8192xf32, #tpu.memory_space<hbm>>, %arg7: memref<256x8xf32, #tpu.memory_space<vmem>>, %arg8: memref<256xi32, #tpu.memory_space<vmem>>, %arg9: memref<256xi32, #tpu.memory_space<vmem>>, %arg10: memref<256xf32, #tpu.memory_space<vmem>>, %arg11: memref<256xf32, #tpu.memory_space<vmem>>, %arg12: memref<!tpu.dma_semaphore, #tpu.memory_space<semaphore_mem>>) attributes {dimension_semantics = [#tpu.dimension_semantics<core_parallel>, #tpu.dimension_semantics<subcore_parallel>], iteration_bounds = array<i64: 2, 16>, scalar_prefetch = 0 : i64, scratch_operands = 6 : i64, tpu.core_type = #tpu.core_type<sc_vector_subcore>, window_params = [{transform_indices = #map}, {transform_indices = #map1}, {transform_indices = #map1}, {transform_indices = #map1}, {transform_indices = #map1}]} {
    %mul3A = arith.constant 2 : i32
    %mul3A_0 = arith.muli %arg1, %mul3A : i32
    %add3A = arith.addi %mul3A_0, %arg0 : i32
    %mul3A_1 = arith.constant 256 : i32
    %mul3A_2 = arith.muli %add3A, %mul3A_1 : i32
    "tpu.region"() ({
      %run_scoped3A = tpu.sem_alloc : memref<!tpu.dma_semaphore, #tpu.memory_space<semaphore_mem>>
      %dma_start3A = arith.constant 0 : i32
      %dma_start3A_8 = tpu.memref_slice %arg2[%mul3A_2, %dma_start3A] : memref<8192x8xf32, #tpu.memory_space<hbm>> -> memref<256x8xf32, #tpu.memory_space<hbm>>
      %dma_start3A_9 = arith.constant 0 : i32
      %dma_start3A_10 = tpu.memref_slice %arg2[%mul3A_2, %dma_start3A_9] : memref<8192x8xf32, #tpu.memory_space<hbm>> -> memref<256x8xf32, #tpu.memory_space<hbm>>
      tpu.enqueue_dma source(%dma_start3A_10 : memref<256x8xf32, #tpu.memory_space<hbm>>) target(%arg7 : memref<256x8xf32, #tpu.memory_space<vmem>>) target_semaphore(%run_scoped3A : memref<!tpu.dma_semaphore, #tpu.memory_space<semaphore_mem>>)
      %dma_wait3A = arith.constant 0 : i32
      %dma_wait3A_11 = tpu.memref_slice %arg2[%mul3A_2, %dma_wait3A] : memref<8192x8xf32, #tpu.memory_space<hbm>> -> memref<256x8xf32, #tpu.memory_space<hbm>>
      %dma_wait3A_12 = arith.constant 0 : i32
      %dma_wait3A_13 = tpu.memref_slice %arg2[%mul3A_2, %dma_wait3A_12] : memref<8192x8xf32, #tpu.memory_space<hbm>> -> memref<256x8xf32, #tpu.memory_space<hbm>>
      tpu.wait_dma2 semaphore(%run_scoped3A : memref<!tpu.dma_semaphore, #tpu.memory_space<semaphore_mem>>) src(%dma_wait3A_13 : memref<256x8xf32, #tpu.memory_space<hbm>>) dst(%arg7 : memref<256x8xf32, #tpu.memory_space<vmem>>)
      tpu.yield
    }) : () -> ()
    %iota3A = tpu.iota {dimensions = array<i32: 0>} : vector<16xi32>
    %scan3A = arith.constant 0 : i32
    %scan3A_3 = arith.constant 0 : i32
    %scan3A_4 = arith.constant 16 : i32
    %scan3A_5 = arith.addi %scan3A_3, %scan3A_4 : i32
    %scan3A_6 = arith.constant 1 : i32
    scf.for %scan3A_8 = %scan3A_3 to %scan3A_5 step %scan3A_6  : i32 {
      %mul3A_9 = arith.constant 16 : i32
      %mul3A_10 = arith.muli %scan3A_8, %mul3A_9 : i32
      %add3A_11 = vector.broadcast %mul3A_10 : i32 to vector<16xi32>
      %add3A_12 = arith.addi %add3A_11, %iota3A : vector<16xi32>
      %broadcast_in_dim3A = arith.constant 0 : i32
      %broadcast_in_dim3A_13 = vector.broadcast %broadcast_in_dim3A : i32 to vector<16xi32>
      %gather3A = tpu.vector_load_idx %arg7[%add3A_12, %broadcast_in_dim3A_13] : memref<256x8xf32, #tpu.memory_space<vmem>>[vector<16xi32>, vector<16xi32>], vector<16xf32>,
      %broadcast_in_dim3A_14 = arith.constant 1 : i32
      %broadcast_in_dim3A_15 = vector.broadcast %broadcast_in_dim3A_14 : i32 to vector<16xi32>
      %gather3A_16 = tpu.vector_load_idx %arg7[%add3A_12, %broadcast_in_dim3A_15] : memref<256x8xf32, #tpu.memory_space<vmem>>[vector<16xi32>, vector<16xi32>], vector<16xf32>,
      %broadcast_in_dim3A_17 = arith.constant 2 : i32
      %broadcast_in_dim3A_18 = vector.broadcast %broadcast_in_dim3A_17 : i32 to vector<16xi32>
      %gather3A_19 = tpu.vector_load_idx %arg7[%add3A_12, %broadcast_in_dim3A_18] : memref<256x8xf32, #tpu.memory_space<vmem>>[vector<16xi32>, vector<16xi32>], vector<16xf32>,
      %broadcast_in_dim3A_20 = arith.constant 3 : i32
      %broadcast_in_dim3A_21 = vector.broadcast %broadcast_in_dim3A_20 : i32 to vector<16xi32>
      %gather3A_22 = tpu.vector_load_idx %arg7[%add3A_12, %broadcast_in_dim3A_21] : memref<256x8xf32, #tpu.memory_space<vmem>>[vector<16xi32>, vector<16xi32>], vector<16xf32>,
      %broadcast_in_dim3A_23 = arith.constant 4 : i32
      %broadcast_in_dim3A_24 = vector.broadcast %broadcast_in_dim3A_23 : i32 to vector<16xi32>
      %gather3A_25 = tpu.vector_load_idx %arg7[%add3A_12, %broadcast_in_dim3A_24] : memref<256x8xf32, #tpu.memory_space<vmem>>[vector<16xi32>, vector<16xi32>], vector<16xf32>,
      %broadcast_in_dim3A_26 = arith.constant 5 : i32
      %broadcast_in_dim3A_27 = vector.broadcast %broadcast_in_dim3A_26 : i32 to vector<16xi32>
      %gather3A_28 = tpu.vector_load_idx %arg7[%add3A_12, %broadcast_in_dim3A_27] : memref<256x8xf32, #tpu.memory_space<vmem>>[vector<16xi32>, vector<16xi32>], vector<16xf32>,
      %broadcast_in_dim3A_29 = arith.constant 6 : i32
      %broadcast_in_dim3A_30 = vector.broadcast %broadcast_in_dim3A_29 : i32 to vector<16xi32>
      %gather3A_31 = tpu.vector_load_idx %arg7[%add3A_12, %broadcast_in_dim3A_30] : memref<256x8xf32, #tpu.memory_space<vmem>>[vector<16xi32>, vector<16xi32>], vector<16xf32>,
      %broadcast_in_dim3A_32 = arith.constant 7 : i32
      %broadcast_in_dim3A_33 = vector.broadcast %broadcast_in_dim3A_32 : i32 to vector<16xi32>
      %gather3A_34 = tpu.vector_load_idx %arg7[%add3A_12, %broadcast_in_dim3A_33] : memref<256x8xf32, #tpu.memory_space<vmem>>[vector<16xi32>, vector<16xi32>], vector<16xf32>,
      %broadcast_in_dim3A_35 = arith.constant 0 : i32
      %broadcast_in_dim3A_36 = vector.broadcast %broadcast_in_dim3A_35 : i32 to vector<16xi32>
      %gt3A = arith.cmpf ogt, %gather3A_16, %gather3A : vector<16xf32>
      %select_n3A = arith.select %gt3A, %gather3A_16, %gather3A : vector<16xi1>, vector<16xf32>
      %jit3A = arith.constant 1 : i32
      %broadcast_in_dim3A_37 = vector.broadcast %jit3A : i32 to vector<16xi32>
      %select_n3A_38 = arith.select %gt3A, %broadcast_in_dim3A_37, %broadcast_in_dim3A_36 : vector<16xi1>, vector<16xi32>
      %gt3A_39 = arith.cmpf ogt, %gather3A_19, %select_n3A : vector<16xf32>
      %select_n3A_40 = arith.select %gt3A_39, %gather3A_19, %select_n3A : vector<16xi1>, vector<16xf32>
      %jit3A_41 = arith.constant 2 : i32
      %broadcast_in_dim3A_42 = vector.broadcast %jit3A_41 : i32 to vector<16xi32>
      %select_n3A_43 = arith.select %gt3A_39, %broadcast_in_dim3A_42, %select_n3A_38 : vector<16xi1>, vector<16xi32>
      %gt3A_44 = arith.cmpf ogt, %gather3A_22, %select_n3A_40 : vector<16xf32>
      %select_n3A_45 = arith.select %gt3A_44, %gather3A_22, %select_n3A_40 : vector<16xi1>, vector<16xf32>
      %jit3A_46 = arith.constant 3 : i32
      %broadcast_in_dim3A_47 = vector.broadcast %jit3A_46 : i32 to vector<16xi32>
      %select_n3A_48 = arith.select %gt3A_44, %broadcast_in_dim3A_47, %select_n3A_43 : vector<16xi1>, vector<16xi32>
      %gt3A_49 = arith.cmpf ogt, %gather3A_25, %select_n3A_45 : vector<16xf32>
      %select_n3A_50 = arith.select %gt3A_49, %gather3A_25, %select_n3A_45 : vector<16xi1>, vector<16xf32>
      %jit3A_51 = arith.constant 4 : i32
      %broadcast_in_dim3A_52 = vector.broadcast %jit3A_51 : i32 to vector<16xi32>
      %select_n3A_53 = arith.select %gt3A_49, %broadcast_in_dim3A_52, %select_n3A_48 : vector<16xi1>, vector<16xi32>
      %gt3A_54 = arith.cmpf ogt, %gather3A_28, %select_n3A_50 : vector<16xf32>
      %select_n3A_55 = arith.select %gt3A_54, %gather3A_28, %select_n3A_50 : vector<16xi1>, vector<16xf32>
      %jit3A_56 = arith.constant 5 : i32
      %broadcast_in_dim3A_57 = vector.broadcast %jit3A_56 : i32 to vector<16xi32>
      %select_n3A_58 = arith.select %gt3A_54, %broadcast_in_dim3A_57, %select_n3A_53 : vector<16xi1>, vector<16xi32>
      %gt3A_59 = arith.cmpf ogt, %gather3A_31, %select_n3A_55 : vector<16xf32>
      %select_n3A_60 = arith.select %gt3A_59, %gather3A_31, %select_n3A_55 : vector<16xi1>, vector<16xf32>
      %jit3A_61 = arith.constant 6 : i32
      %broadcast_in_dim3A_62 = vector.broadcast %jit3A_61 : i32 to vector<16xi32>
      %select_n3A_63 = arith.select %gt3A_59, %broadcast_in_dim3A_62, %select_n3A_58 : vector<16xi1>, vector<16xi32>
      %gt3A_64 = arith.cmpf ogt, %gather3A_34, %select_n3A_60 : vector<16xf32>
      %select_n3A_65 = arith.select %gt3A_64, %gather3A_34, %select_n3A_60 : vector<16xi1>, vector<16xf32>
      %jit3A_66 = arith.constant 7 : i32
      %broadcast_in_dim3A_67 = vector.broadcast %jit3A_66 : i32 to vector<16xi32>
      %select_n3A_68 = arith.select %gt3A_64, %broadcast_in_dim3A_67, %select_n3A_63 : vector<16xi1>, vector<16xi32>
      %broadcast_in_dim3A_69 = arith.constant -3.000000e+38 : f32
      %broadcast_in_dim3A_70 = vector.broadcast %broadcast_in_dim3A_69 : f32 to vector<16xf32>
      %broadcast_in_dim3A_71 = arith.constant 0 : i32
      %broadcast_in_dim3A_72 = vector.broadcast %broadcast_in_dim3A_71 : i32 to vector<16xi32>
      %ne3A = arith.constant 0 : i32
      %ne3A_73 = vector.broadcast %ne3A : i32 to vector<16xi32>
      %ne3A_74 = arith.cmpi ne, %select_n3A_68, %ne3A_73 : vector<16xi32>
      %gt3A_75 = arith.cmpf ogt, %gather3A, %broadcast_in_dim3A_70 : vector<16xf32>
      %and3A = arith.andi %ne3A_74, %gt3A_75 : vector<16xi1>
      %select_n3A_76 = arith.select %and3A, %gather3A, %broadcast_in_dim3A_70 : vector<16xi1>, vector<16xf32>
      %jit3A_77 = arith.constant 0 : i32
      %broadcast_in_dim3A_78 = vector.broadcast %jit3A_77 : i32 to vector<16xi32>
      %select_n3A_79 = arith.select %and3A, %broadcast_in_dim3A_78, %broadcast_in_dim3A_72 : vector<16xi1>, vector<16xi32>
      %ne3A_80 = arith.constant 1 : i32
      %ne3A_81 = vector.broadcast %ne3A_80 : i32 to vector<16xi32>
      %ne3A_82 = arith.cmpi ne, %select_n3A_68, %ne3A_81 : vector<16xi32>
      %gt3A_83 = arith.cmpf ogt, %gather3A_16, %select_n3A_76 : vector<16xf32>
      %and3A_84 = arith.andi %ne3A_82, %gt3A_83 : vector<16xi1>
      %select_n3A_85 = arith.select %and3A_84, %gather3A_16, %select_n3A_76 : vector<16xi1>, vector<16xf32>
      %jit3A_86 = arith.constant 1 : i32
      %broadcast_in_dim3A_87 = vector.broadcast %jit3A_86 : i32 to vector<16xi32>
      %select_n3A_88 = arith.select %and3A_84, %broadcast_in_dim3A_87, %select_n3A_79 : vector<16xi1>, vector<16xi32>
      %ne3A_89 = arith.constant 2 : i32
      %ne3A_90 = vector.broadcast %ne3A_89 : i32 to vector<16xi32>
      %ne3A_91 = arith.cmpi ne, %select_n3A_68, %ne3A_90 : vector<16xi32>
      %gt3A_92 = arith.cmpf ogt, %gather3A_19, %select_n3A_85 : vector<16xf32>
      %and3A_93 = arith.andi %ne3A_91, %gt3A_92 : vector<16xi1>
      %select_n3A_94 = arith.select %and3A_93, %gather3A_19, %select_n3A_85 : vector<16xi1>, vector<16xf32>
      %jit3A_95 = arith.constant 2 : i32
      %broadcast_in_dim3A_96 = vector.broadcast %jit3A_95 : i32 to vector<16xi32>
      %select_n3A_97 = arith.select %and3A_93, %broadcast_in_dim3A_96, %select_n3A_88 : vector<16xi1>, vector<16xi32>
      %ne3A_98 = arith.constant 3 : i32
      %ne3A_99 = vector.broadcast %ne3A_98 : i32 to vector<16xi32>
      %ne3A_100 = arith.cmpi ne, %select_n3A_68, %ne3A_99 : vector<16xi32>
      %gt3A_101 = arith.cmpf ogt, %gather3A_22, %select_n3A_94 : vector<16xf32>
      %and3A_102 = arith.andi %ne3A_100, %gt3A_101 : vector<16xi1>
      %select_n3A_103 = arith.select %and3A_102, %gather3A_22, %select_n3A_94 : vector<16xi1>, vector<16xf32>
      %jit3A_104 = arith.constant 3 : i32
      %broadcast_in_dim3A_105 = vector.broadcast %jit3A_104 : i32 to vector<16xi32>
      %select_n3A_106 = arith.select %and3A_102, %broadcast_in_dim3A_105, %select_n3A_97 : vector<16xi1>, vector<16xi32>
      %ne3A_107 = arith.constant 4 : i32
      %ne3A_108 = vector.broadcast %ne3A_107 : i32 to vector<16xi32>
      %ne3A_109 = arith.cmpi ne, %select_n3A_68, %ne3A_108 : vector<16xi32>
      %gt3A_110 = arith.cmpf ogt, %gather3A_25, %select_n3A_103 : vector<16xf32>
      %and3A_111 = arith.andi %ne3A_109, %gt3A_110 : vector<16xi1>
      %select_n3A_112 = arith.select %and3A_111, %gather3A_25, %select_n3A_103 : vector<16xi1>, vector<16xf32>
      %jit3A_113 = arith.constant 4 : i32
      %broadcast_in_dim3A_114 = vector.broadcast %jit3A_113 : i32 to vector<16xi32>
      %select_n3A_115 = arith.select %and3A_111, %broadcast_in_dim3A_114, %select_n3A_106 : vector<16xi1>, vector<16xi32>
      %ne3A_116 = arith.constant 5 : i32
      %ne3A_117 = vector.broadcast %ne3A_116 : i32 to vector<16xi32>
      %ne3A_118 = arith.cmpi ne, %select_n3A_68, %ne3A_117 : vector<16xi32>
      %gt3A_119 = arith.cmpf ogt, %gather3A_28, %select_n3A_112 : vector<16xf32>
      %and3A_120 = arith.andi %ne3A_118, %gt3A_119 : vector<16xi1>
      %select_n3A_121 = arith.select %and3A_120, %gather3A_28, %select_n3A_112 : vector<16xi1>, vector<16xf32>
      %jit3A_122 = arith.constant 5 : i32
      %broadcast_in_dim3A_123 = vector.broadcast %jit3A_122 : i32 to vector<16xi32>
      %select_n3A_124 = arith.select %and3A_120, %broadcast_in_dim3A_123, %select_n3A_115 : vector<16xi1>, vector<16xi32>
      %ne3A_125 = arith.constant 6 : i32
      %ne3A_126 = vector.broadcast %ne3A_125 : i32 to vector<16xi32>
      %ne3A_127 = arith.cmpi ne, %select_n3A_68, %ne3A_126 : vector<16xi32>
      %gt3A_128 = arith.cmpf ogt, %gather3A_31, %select_n3A_121 : vector<16xf32>
      %and3A_129 = arith.andi %ne3A_127, %gt3A_128 : vector<16xi1>
      %select_n3A_130 = arith.select %and3A_129, %gather3A_31, %select_n3A_121 : vector<16xi1>, vector<16xf32>
      %jit3A_131 = arith.constant 6 : i32
      %broadcast_in_dim3A_132 = vector.broadcast %jit3A_131 : i32 to vector<16xi32>
      %select_n3A_133 = arith.select %and3A_129, %broadcast_in_dim3A_132, %select_n3A_124 : vector<16xi1>, vector<16xi32>
      %ne3A_134 = arith.constant 7 : i32
      %ne3A_135 = vector.broadcast %ne3A_134 : i32 to vector<16xi32>
      %ne3A_136 = arith.cmpi ne, %select_n3A_68, %ne3A_135 : vector<16xi32>
      %gt3A_137 = arith.cmpf ogt, %gather3A_34, %select_n3A_130 : vector<16xf32>
      %and3A_138 = arith.andi %ne3A_136, %gt3A_137 : vector<16xi1>
      %select_n3A_139 = arith.select %and3A_138, %gather3A_34, %select_n3A_130 : vector<16xi1>, vector<16xf32>
      %jit3A_140 = arith.constant 7 : i32
      %broadcast_in_dim3A_141 = vector.broadcast %jit3A_140 : i32 to vector<16xi32>
      %select_n3A_142 = arith.select %and3A_138, %broadcast_in_dim3A_141, %select_n3A_133 : vector<16xi1>, vector<16xi32>
      %sub3A = arith.subf %select_n3A_139, %select_n3A_65 : vector<16xf32>
      %exp3A = math.exp %sub3A : vector<16xf32>
      %add3A_143 = arith.constant 1.000000e+00 : f32
      %add3A_144 = vector.broadcast %add3A_143 : f32 to vector<16xf32>
      %add3A_145 = arith.addf %add3A_144, %exp3A : vector<16xf32>
      %div3A = arith.constant 1.000000e+00 : f32
      %div3A_146 = vector.broadcast %div3A : f32 to vector<16xf32>
      %div3A_147 = arith.divf %div3A_146, %add3A_145 : vector<16xf32>
      %sub3A_148 = arith.constant 1.000000e+00 : f32
      %sub3A_149 = vector.broadcast %sub3A_148 : f32 to vector<16xf32>
      %sub3A_150 = arith.subf %sub3A_149, %div3A_147 : vector<16xf32>
      %mul3A_151 = arith.constant 16 : i32
      %mul3A_152 = arith.muli %scan3A_8, %mul3A_151 : i32
      %swap3A = arith.index_cast %mul3A_152 : i32 to index
      %swap3A_153 = tpu.vector_load %arg8[%swap3A] {strides = array<i32>} : memref<256xi32, #tpu.memory_space<vmem>>, vector<16xi32>,
      tpu.vector_store %arg8[%swap3A], %select_n3A_68 {strides = array<i32>} : memref<256xi32, #tpu.memory_space<vmem>>, vector<16xi32>,
      %swap3A_154 = arith.index_cast %mul3A_152 : i32 to index
      %swap3A_155 = tpu.vector_load %arg9[%swap3A_154] {strides = array<i32>} : memref<256xi32, #tpu.memory_space<vmem>>, vector<16xi32>,
      tpu.vector_store %arg9[%swap3A_154], %select_n3A_142 {strides = array<i32>} : memref<256xi32, #tpu.memory_space<vmem>>, vector<16xi32>,
      %swap3A_156 = arith.index_cast %mul3A_152 : i32 to index
      %swap3A_157 = tpu.vector_load %arg10[%swap3A_156] {strides = array<i32>} : memref<256xf32, #tpu.memory_space<vmem>>, vector<16xf32>,
      tpu.vector_store %arg10[%swap3A_156], %div3A_147 {strides = array<i32>} : memref<256xf32, #tpu.memory_space<vmem>>, vector<16xf32>,
      %swap3A_158 = arith.index_cast %mul3A_152 : i32 to index
      %swap3A_159 = tpu.vector_load %arg11[%swap3A_158] {strides = array<i32>} : memref<256xf32, #tpu.memory_space<vmem>>, vector<16xf32>,
      tpu.vector_store %arg11[%swap3A_158], %sub3A_150 {strides = array<i32>} : memref<256xf32, #tpu.memory_space<vmem>>, vector<16xf32>,
    }
    %scan3A_7 = arith.constant 16 : i32
    "tpu.region"() ({
      %run_scoped3A = tpu.sem_alloc : memref<!tpu.dma_semaphore, #tpu.memory_space<semaphore_mem>>
      %dma_start3A = tpu.memref_slice %arg3[%mul3A_2] : memref<8192xi32, #tpu.memory_space<hbm>> -> memref<256xi32, #tpu.memory_space<hbm>>
      %dma_start3A_8 = tpu.memref_slice %arg3[%mul3A_2] : memref<8192xi32, #tpu.memory_space<hbm>> -> memref<256xi32, #tpu.memory_space<hbm>>
      tpu.enqueue_dma source(%arg8 : memref<256xi32, #tpu.memory_space<vmem>>) target(%dma_start3A_8 : memref<256xi32, #tpu.memory_space<hbm>>) target_semaphore(%run_scoped3A : memref<!tpu.dma_semaphore, #tpu.memory_space<semaphore_mem>>)
      %dma_wait3A = tpu.memref_slice %arg3[%mul3A_2] : memref<8192xi32, #tpu.memory_space<hbm>> -> memref<256xi32, #tpu.memory_space<hbm>>
      %dma_wait3A_9 = tpu.memref_slice %arg3[%mul3A_2] : memref<8192xi32, #tpu.memory_space<hbm>> -> memref<256xi32, #tpu.memory_space<hbm>>
      tpu.wait_dma2 semaphore(%run_scoped3A : memref<!tpu.dma_semaphore, #tpu.memory_space<semaphore_mem>>) src(%arg8 : memref<256xi32, #tpu.memory_space<vmem>>) dst(%dma_wait3A_9 : memref<256xi32, #tpu.memory_space<hbm>>)
      tpu.yield
    }) : () -> ()
    "tpu.region"() ({
      %run_scoped3A = tpu.sem_alloc : memref<!tpu.dma_semaphore, #tpu.memory_space<semaphore_mem>>
      %dma_start3A = tpu.memref_slice %arg4[%mul3A_2] : memref<8192xi32, #tpu.memory_space<hbm>> -> memref<256xi32, #tpu.memory_space<hbm>>
      %dma_start3A_8 = tpu.memref_slice %arg4[%mul3A_2] : memref<8192xi32, #tpu.memory_space<hbm>> -> memref<256xi32, #tpu.memory_space<hbm>>
      tpu.enqueue_dma source(%arg9 : memref<256xi32, #tpu.memory_space<vmem>>) target(%dma_start3A_8 : memref<256xi32, #tpu.memory_space<hbm>>) target_semaphore(%run_scoped3A : memref<!tpu.dma_semaphore, #tpu.memory_space<semaphore_mem>>)
      %dma_wait3A = tpu.memref_slice %arg4[%mul3A_2] : memref<8192xi32, #tpu.memory_space<hbm>> -> memref<256xi32, #tpu.memory_space<hbm>>
      %dma_wait3A_9 = tpu.memref_slice %arg4[%mul3A_2] : memref<8192xi32, #tpu.memory_space<hbm>> -> memref<256xi32, #tpu.memory_space<hbm>>
      tpu.wait_dma2 semaphore(%run_scoped3A : memref<!tpu.dma_semaphore, #tpu.memory_space<semaphore_mem>>) src(%arg9 : memref<256xi32, #tpu.memory_space<vmem>>) dst(%dma_wait3A_9 : memref<256xi32, #tpu.memory_space<hbm>>)
      tpu.yield
    }) : () -> ()
    "tpu.region"() ({
      %run_scoped3A = tpu.sem_alloc : memref<!tpu.dma_semaphore, #tpu.memory_space<semaphore_mem>>
      %dma_start3A = tpu.memref_slice %arg5[%mul3A_2] : memref<8192xf32, #tpu.memory_space<hbm>> -> memref<256xf32, #tpu.memory_space<hbm>>
      %dma_start3A_8 = tpu.memref_slice %arg5[%mul3A_2] : memref<8192xf32, #tpu.memory_space<hbm>> -> memref<256xf32, #tpu.memory_space<hbm>>
      tpu.enqueue_dma source(%arg10 : memref<256xf32, #tpu.memory_space<vmem>>) target(%dma_start3A_8 : memref<256xf32, #tpu.memory_space<hbm>>) target_semaphore(%run_scoped3A : memref<!tpu.dma_semaphore, #tpu.memory_space<semaphore_mem>>)
      %dma_wait3A = tpu.memref_slice %arg5[%mul3A_2] : memref<8192xf32, #tpu.memory_space<hbm>> -> memref<256xf32, #tpu.memory_space<hbm>>
      %dma_wait3A_9 = tpu.memref_slice %arg5[%mul3A_2] : memref<8192xf32, #tpu.memory_space<hbm>> -> memref<256xf32, #tpu.memory_space<hbm>>
      tpu.wait_dma2 semaphore(%run_scoped3A : memref<!tpu.dma_semaphore, #tpu.memory_space<semaphore_mem>>) src(%arg10 : memref<256xf32, #tpu.memory_space<vmem>>) dst(%dma_wait3A_9 : memref<256xf32, #tpu.memory_space<hbm>>)
      tpu.yield
    }) : () -> ()
    "tpu.region"() ({
      %run_scoped3A = tpu.sem_alloc : memref<!tpu.dma_semaphore, #tpu.memory_space<semaphore_mem>>
      %dma_start3A = tpu.memref_slice %arg6[%mul3A_2] : memref<8192xf32, #tpu.memory_space<hbm>> -> memref<256xf32, #tpu.memory_space<hbm>>
      %dma_start3A_8 = tpu.memref_slice %arg6[%mul3A_2] : memref<8192xf32, #tpu.memory_space<hbm>> -> memref<256xf32, #tpu.memory_space<hbm>>
      tpu.enqueue_dma source(%arg11 : memref<256xf32, #tpu.memory_space<vmem>>) target(%dma_start3A_8 : memref<256xf32, #tpu.memory_space<hbm>>) target_semaphore(%run_scoped3A : memref<!tpu.dma_semaphore, #tpu.memory_space<semaphore_mem>>)
      %dma_wait3A = tpu.memref_slice %arg6[%mul3A_2] : memref<8192xf32, #tpu.memory_space<hbm>> -> memref<256xf32, #tpu.memory_space<hbm>>
      %dma_wait3A_9 = tpu.memref_slice %arg6[%mul3A_2] : memref<8192xf32, #tpu.memory_space<hbm>> -> memref<256xf32, #tpu.memory_space<hbm>>
      tpu.wait_dma2 semaphore(%run_scoped3A : memref<!tpu.dma_semaphore, #tpu.memory_space<semaphore_mem>>) src(%arg11 : memref<256xf32, #tpu.memory_space<vmem>>) dst(%dma_wait3A_9 : memref<256xf32, #tpu.memory_space<hbm>>)
      tpu.yield
    }) : () -> ()
    return
  }
}

module attributes {stable_mosaic.version = 14 : i64} {
  func.func @_logits_body(%arg0: i32, %arg1: memref<1024x1024xf32, #tpu.memory_space<vmem>>, %arg2: memref<1024x8xf32, #tpu.memory_space<vmem>>, %arg3: memref<1024x8xf32, #tpu.memory_space<vmem>>) attributes {dimension_semantics = [#tpu.dimension_semantics<arbitrary>], iteration_bounds = array<i64: 8>, scalar_prefetch = 0 : i64, scratch_operands = 0 : i64, tpu.core_type = #tpu.core_type<tc>, window_params = [{transform_indices = @transform_0, window_bounds = array<i64: 1024, 1024>}, {pipeline_mode = #tpu.pipeline_mode<synchronous>, transform_indices = @transform_1, window_bounds = array<i64: 1024, 8>}, {transform_indices = @transform_2, window_bounds = array<i64: 1024, 8>}]} {
    %get3A = arith.constant 0 : index
    %get3A_0 = arith.constant 0 : index
    %get3A_1 = vector.load %arg1[%get3A, %get3A_0] : memref<1024x1024xf32, #tpu.memory_space<vmem>>, vector<1024x1024xf32>
    %get3A_2 = arith.constant 0 : index
    %get3A_3 = arith.constant 0 : index
    %get3A_4 = vector.load %arg2[%get3A_2, %get3A_3] : memref<1024x8xf32, #tpu.memory_space<vmem>>, vector<1024x8xf32>
    %dot_general3A = arith.constant dense<0.000000e+00> : vector<1024x8xf32>
    %dot_general3A_5 = tpu.matmul %get3A_1, %get3A_4, %dot_general3A {dimension_numbers = #tpu.dot_dimension_numbers<[1], [0], [0], [1], [0, 0, 1, 1], [], []>, transpose_lhs_hint = false} : vector<1024x1024xf32>, vector<1024x8xf32>, vector<1024x8xf32> -> vector<1024x8xf32>
    %swap3A = arith.constant 0 : index
    %swap3A_6 = arith.constant 0 : index
    %swap3A_7 = vector.load %arg3[%swap3A, %swap3A_6] : memref<1024x8xf32, #tpu.memory_space<vmem>>, vector<1024x8xf32>
    tpu.vector_store %arg3[%swap3A, %swap3A_6], %dot_general3A_5 {strides = array<i32>} : memref<1024x8xf32, #tpu.memory_space<vmem>>, vector<1024x8xf32>,
    return
  }
  func.func @transform_0(%arg0: i32) -> (i32, i32) {
    %c0_i32 = arith.constant 0 : i32
    %c0_i32_0 = arith.constant 0 : i32
    return %arg0, %c0_i32 : i32, i32
  }
  func.func @transform_1(%arg0: i32) -> (i32, i32) {
    %c0_i32 = arith.constant 0 : i32
    %c0_i32_0 = arith.constant 0 : i32
    %c0_i32_1 = arith.constant 0 : i32
    return %c0_i32, %c0_i32_0 : i32, i32
  }
  func.func @transform_2(%arg0: i32) -> (i32, i32) {
    %c0_i32 = arith.constant 0 : i32
    %c0_i32_0 = arith.constant 0 : i32
    return %arg0, %c0_i32 : i32, i32
  }
}

module attributes {stable_mosaic.version = 14 : i64} {
  func.func @_expert_body(%arg0: i32, %arg1: memref<512x1024xf32, #tpu.memory_space<vmem>>, %arg2: memref<512x1xi32, #tpu.memory_space<vmem>>, %arg3: memref<512x1xi32, #tpu.memory_space<vmem>>, %arg4: memref<512x1xf32, #tpu.memory_space<vmem>>, %arg5: memref<512x1xf32, #tpu.memory_space<vmem>>, %arg6: memref<1024x1024xbf16, #tpu.memory_space<vmem>>, %arg7: memref<8x128x1024xbf16, #tpu.memory_space<vmem>>, %arg8: memref<1024x2xf32, #tpu.memory_space<vmem>>, %arg9: memref<512x2xf32, #tpu.memory_space<vmem>>, %arg10: memref<1x1xf32, #tpu.memory_space<vmem>>, %arg11: memref<1x8xf32, #tpu.memory_space<vmem>>, %arg12: memref<1x8xf32, #tpu.memory_space<vmem>>) attributes {dimension_semantics = [#tpu.dimension_semantics<arbitrary>], iteration_bounds = array<i64: 16>, scalar_prefetch = 0 : i64, scratch_operands = 2 : i64, tpu.core_type = #tpu.core_type<tc>, window_params = [{transform_indices = @transform_0, window_bounds = array<i64: 512, 1024>}, {transform_indices = @transform_1, window_bounds = array<i64: 512, 1>}, {transform_indices = @transform_2, window_bounds = array<i64: 512, 1>}, {transform_indices = @transform_3, window_bounds = array<i64: 512, 1>}, {transform_indices = @transform_4, window_bounds = array<i64: 512, 1>}, {pipeline_mode = #tpu.pipeline_mode<synchronous>, transform_indices = @transform_5, window_bounds = array<i64: 1024, 1024>}, {pipeline_mode = #tpu.pipeline_mode<synchronous>, transform_indices = @transform_6, window_bounds = array<i64: 8, 128, 1024>}, {pipeline_mode = #tpu.pipeline_mode<synchronous>, transform_indices = @transform_7, window_bounds = array<i64: 1024, 2>}, {transform_indices = @transform_8, window_bounds = array<i64: 512, 2>}, {pipeline_mode = #tpu.pipeline_mode<synchronous>, transform_indices = @transform_9, window_bounds = array<i64: 1, 1>}]} {
    %get3A = arith.constant 0 : index
    %get3A_0 = arith.constant 0 : index
    %get3A_1 = vector.load %arg1[%get3A, %get3A_0] : memref<512x1024xf32, #tpu.memory_space<vmem>>, vector<512x1024xf32>
    %iota3A = tpu.iota {dimensions = array<i32: 1>} : vector<512x8xi32>
    %get3A_2 = arith.constant 0 : index
    %get3A_3 = arith.constant 0 : index
    %get3A_4 = vector.load %arg2[%get3A_2, %get3A_3] : memref<512x1xi32, #tpu.memory_space<vmem>>, vector<512x1xi32>
    %get3A_5 = arith.constant 0 : index
    %get3A_6 = arith.constant 0 : index
    %get3A_7 = vector.load %arg3[%get3A_5, %get3A_6] : memref<512x1xi32, #tpu.memory_space<vmem>>, vector<512x1xi32>
    %get3A_8 = arith.constant 0 : index
    %get3A_9 = arith.constant 0 : index
    %get3A_10 = vector.load %arg4[%get3A_8, %get3A_9] : memref<512x1xf32, #tpu.memory_space<vmem>>, vector<512x1xf32>
    %get3A_11 = arith.constant 0 : index
    %get3A_12 = arith.constant 0 : index
    %get3A_13 = vector.load %arg5[%get3A_11, %get3A_12] : memref<512x1xf32, #tpu.memory_space<vmem>>, vector<512x1xf32>
    %eq3A = vector.broadcast %get3A_4 : vector<512x1xi32> to vector<512x8xi32>
    %eq3A_14 = arith.cmpi eq, %iota3A, %eq3A : vector<512x8xi32>
    %convert_element_type3A = arith.extui %eq3A_14 : vector<512x8xi1> to vector<512x8xi32>
    %convert_element_type3A_15 = arith.sitofp %convert_element_type3A : vector<512x8xi32> to vector<512x8xf32>
    %eq3A_16 = vector.broadcast %get3A_7 : vector<512x1xi32> to vector<512x8xi32>
    %eq3A_17 = arith.cmpi eq, %iota3A, %eq3A_16 : vector<512x8xi32>
    %convert_element_type3A_18 = arith.extui %eq3A_17 : vector<512x8xi1> to vector<512x8xi32>
    %convert_element_type3A_19 = arith.sitofp %convert_element_type3A_18 : vector<512x8xi32> to vector<512x8xf32>
    %mul3A = vector.broadcast %get3A_10 : vector<512x1xf32> to vector<512x8xf32>
    %mul3A_20 = arith.mulf %convert_element_type3A_15, %mul3A : vector<512x8xf32>
    %mul3A_21 = vector.broadcast %get3A_13 : vector<512x1xf32> to vector<512x8xf32>
    %mul3A_22 = arith.mulf %convert_element_type3A_19, %mul3A_21 : vector<512x8xf32>
    %add3A = arith.addf %mul3A_20, %mul3A_22 : vector<512x8xf32>
    %eq3A_23 = arith.constant 0 : i32
    %eq3A_24 = arith.cmpi eq, %arg0, %eq3A_23 : i32
    %convert_element_type3A_25 = arith.extui %eq3A_24 : i1 to i32
    %cond3A = arith.constant 0 : i32
    %cond3A_26 = arith.cmpi ne, %convert_element_type3A_25, %cond3A : i32
    scf.if %cond3A_26 {
      %broadcast_in_dim3A_242 = arith.constant 0.000000e+00 : f32
      %broadcast_in_dim3A_243 = vector.broadcast %broadcast_in_dim3A_242 : f32 to vector<1x8xf32>
      %swap3A_244 = arith.constant 0 : index
      %swap3A_245 = arith.constant 0 : index
      %swap3A_246 = vector.load %arg11[%swap3A_244, %swap3A_245] : memref<1x8xf32, #tpu.memory_space<vmem>>, vector<1x8xf32>
      tpu.vector_store %arg11[%swap3A_244, %swap3A_245], %broadcast_in_dim3A_243 {strides = array<i32>} : memref<1x8xf32, #tpu.memory_space<vmem>>, vector<1x8xf32>,
      %broadcast_in_dim3A_247 = arith.constant 0.000000e+00 : f32
      %broadcast_in_dim3A_248 = vector.broadcast %broadcast_in_dim3A_247 : f32 to vector<1x8xf32>
      %swap3A_249 = arith.constant 0 : index
      %swap3A_250 = arith.constant 0 : index
      %swap3A_251 = vector.load %arg12[%swap3A_249, %swap3A_250] : memref<1x8xf32, #tpu.memory_space<vmem>>, vector<1x8xf32>
      tpu.vector_store %arg12[%swap3A_249, %swap3A_250], %broadcast_in_dim3A_248 {strides = array<i32>} : memref<1x8xf32, #tpu.memory_space<vmem>>, vector<1x8xf32>,
    } else {
    }
    %get3A_27 = arith.constant 0 : index
    %get3A_28 = arith.constant 0 : index
    %get3A_29 = vector.load %arg11[%get3A_27, %get3A_28] : memref<1x8xf32, #tpu.memory_space<vmem>>, vector<1x8xf32>
    %reduce_sum3A = arith.constant dense<0.000000e+00> : vector<8xf32>
    %reduce_sum3A_30 = vector.multi_reduction <add>, %add3A, %reduce_sum3A [0] : vector<512x8xf32> to vector<8xf32>
    %broadcast_in_dim3A = vector.shape_cast %reduce_sum3A_30 : vector<8xf32> to vector<1x8xf32>
    %add3A_31 = arith.addf %get3A_29, %broadcast_in_dim3A : vector<1x8xf32>
    %swap3A = arith.constant 0 : index
    %swap3A_32 = arith.constant 0 : index
    %swap3A_33 = vector.load %arg11[%swap3A, %swap3A_32] : memref<1x8xf32, #tpu.memory_space<vmem>>, vector<1x8xf32>
    tpu.vector_store %arg11[%swap3A, %swap3A_32], %add3A_31 {strides = array<i32>} : memref<1x8xf32, #tpu.memory_space<vmem>>, vector<1x8xf32>,
    %get3A_34 = arith.constant 0 : index
    %get3A_35 = arith.constant 0 : index
    %get3A_36 = vector.load %arg12[%get3A_34, %get3A_35] : memref<1x8xf32, #tpu.memory_space<vmem>>, vector<1x8xf32>
    %gt3A = arith.constant 0.000000e+00 : f32
    %gt3A_37 = vector.broadcast %gt3A : f32 to vector<512x8xf32>
    %gt3A_38 = arith.cmpf ogt, %add3A, %gt3A_37 : vector<512x8xf32>
    %convert_element_type3A_39 = arith.extui %gt3A_38 : vector<512x8xi1> to vector<512x8xi32>
    %convert_element_type3A_40 = arith.sitofp %convert_element_type3A_39 : vector<512x8xi32> to vector<512x8xf32>
    %reduce_sum3A_41 = arith.constant dense<0.000000e+00> : vector<8xf32>
    %reduce_sum3A_42 = vector.multi_reduction <add>, %convert_element_type3A_40, %reduce_sum3A_41 [0] : vector<512x8xf32> to vector<8xf32>
    %broadcast_in_dim3A_43 = vector.shape_cast %reduce_sum3A_42 : vector<8xf32> to vector<1x8xf32>
    %add3A_44 = arith.addf %get3A_36, %broadcast_in_dim3A_43 : vector<1x8xf32>
    %swap3A_45 = arith.constant 0 : index
    %swap3A_46 = arith.constant 0 : index
    %swap3A_47 = vector.load %arg12[%swap3A_45, %swap3A_46] : memref<1x8xf32, #tpu.memory_space<vmem>>, vector<1x8xf32>
    tpu.vector_store %arg12[%swap3A_45, %swap3A_46], %add3A_44 {strides = array<i32>} : memref<1x8xf32, #tpu.memory_space<vmem>>, vector<1x8xf32>,
    %convert_element_type3A_48 = arith.truncf %get3A_1 : vector<512x1024xf32> to vector<512x1024xbf16>
    %get3A_49 = arith.constant 0 : index
    %get3A_50 = arith.constant 0 : index
    %get3A_51 = vector.load %arg6[%get3A_49, %get3A_50] : memref<1024x1024xbf16, #tpu.memory_space<vmem>>, vector<1024x1024xbf16>
    %dot_general3A = arith.constant dense<0.000000e+00> : vector<512x1024xf32>
    %dot_general3A_52 = tpu.matmul %convert_element_type3A_48, %get3A_51, %dot_general3A {dimension_numbers = #tpu.dot_dimension_numbers<[1], [0], [0], [1], [0, 0, 1, 1], [], []>, transpose_lhs_hint = false} : vector<512x1024xbf16>, vector<1024x1024xbf16>, vector<512x1024xf32> -> vector<512x1024xf32>
    %max3A = arith.constant 0.000000e+00 : f32
    %max3A_53 = vector.broadcast %max3A : f32 to vector<512x1024xf32>
    %max3A_54 = arith.maximumf %dot_general3A_52, %max3A_53 : vector<512x1024xf32>
    %convert_element_type3A_55 = arith.truncf %max3A_54 : vector<512x1024xf32> to vector<512x1024xbf16>
    %broadcast_in_dim3A_56 = arith.constant 0.000000e+00 : f32
    %broadcast_in_dim3A_57 = vector.broadcast %broadcast_in_dim3A_56 : f32 to vector<512x1024xf32>
    %slice3A = vector.extract_strided_slice %convert_element_type3A_55 {offsets = [0, 0], sizes = [512, 128], strides = [1, 1]} : vector<512x1024xbf16> to vector<512x128xbf16>
    %get3A_58 = arith.constant 0 : index
    %get3A_59 = arith.constant 0 : index
    %get3A_60 = arith.constant 0 : index
    %get3A_61 = vector.load %arg7[%get3A_58, %get3A_59, %get3A_60] : memref<8x128x1024xbf16, #tpu.memory_space<vmem>>, vector<1x128x1024xbf16>
    %get3A_62 = vector.shape_cast %get3A_61 : vector<1x128x1024xbf16> to vector<128x1024xbf16>
    %dot_general3A_63 = arith.constant dense<0.000000e+00> : vector<512x1024xf32>
    %dot_general3A_64 = tpu.matmul %slice3A, %get3A_62, %dot_general3A_63 {dimension_numbers = #tpu.dot_dimension_numbers<[1], [0], [0], [1], [0, 0, 1, 1], [], []>, transpose_lhs_hint = false} : vector<512x128xbf16>, vector<128x1024xbf16>, vector<512x1024xf32> -> vector<512x1024xf32>
    %reduce_max3A = arith.constant dense<0xFF800000> : vector<512xf32>
    %reduce_max3A_65 = vector.multi_reduction <maximumf>, %dot_general3A_64, %reduce_max3A [1] : vector<512x1024xf32> to vector<512xf32>
    %broadcast_in_dim3A_66 = vector.shape_cast %reduce_max3A_65 : vector<512xf32> to vector<512x1xf32>
    %sub3A = vector.broadcast %broadcast_in_dim3A_66 : vector<512x1xf32> to vector<512x1024xf32>
    %sub3A_67 = arith.subf %dot_general3A_64, %sub3A : vector<512x1024xf32>
    %exp3A = math.exp %sub3A_67 : vector<512x1024xf32>
    %reduce_sum3A_68 = arith.constant dense<0.000000e+00> : vector<512xf32>
    %reduce_sum3A_69 = vector.multi_reduction <add>, %exp3A, %reduce_sum3A_68 [1] : vector<512x1024xf32> to vector<512xf32>
    %broadcast_in_dim3A_70 = vector.shape_cast %reduce_sum3A_69 : vector<512xf32> to vector<512x1xf32>
    %slice3A_71 = vector.extract_strided_slice %add3A {offsets = [0, 0], sizes = [512, 1], strides = [1, 1]} : vector<512x8xf32> to vector<512x1xf32>
    %div3A = arith.divf %slice3A_71, %broadcast_in_dim3A_70 : vector<512x1xf32>
    %mul3A_72 = vector.broadcast %div3A : vector<512x1xf32> to vector<512x1024xf32>
    %mul3A_73 = arith.mulf %exp3A, %mul3A_72 : vector<512x1024xf32>
    %add3A_74 = arith.addf %broadcast_in_dim3A_57, %mul3A_73 : vector<512x1024xf32>
    %slice3A_75 = vector.extract_strided_slice %convert_element_type3A_55 {offsets = [0, 128], sizes = [512, 128], strides = [1, 1]} : vector<512x1024xbf16> to vector<512x128xbf16>
    %get3A_76 = arith.constant 1 : index
    %get3A_77 = arith.constant 0 : index
    %get3A_78 = arith.constant 0 : index
    %get3A_79 = vector.load %arg7[%get3A_76, %get3A_77, %get3A_78] : memref<8x128x1024xbf16, #tpu.memory_space<vmem>>, vector<1x128x1024xbf16>
    %get3A_80 = vector.shape_cast %get3A_79 : vector<1x128x1024xbf16> to vector<128x1024xbf16>
    %dot_general3A_81 = arith.constant dense<0.000000e+00> : vector<512x1024xf32>
    %dot_general3A_82 = tpu.matmul %slice3A_75, %get3A_80, %dot_general3A_81 {dimension_numbers = #tpu.dot_dimension_numbers<[1], [0], [0], [1], [0, 0, 1, 1], [], []>, transpose_lhs_hint = false} : vector<512x128xbf16>, vector<128x1024xbf16>, vector<512x1024xf32> -> vector<512x1024xf32>
    %reduce_max3A_83 = arith.constant dense<0xFF800000> : vector<512xf32>
    %reduce_max3A_84 = vector.multi_reduction <maximumf>, %dot_general3A_82, %reduce_max3A_83 [1] : vector<512x1024xf32> to vector<512xf32>
    %broadcast_in_dim3A_85 = vector.shape_cast %reduce_max3A_84 : vector<512xf32> to vector<512x1xf32>
    %sub3A_86 = vector.broadcast %broadcast_in_dim3A_85 : vector<512x1xf32> to vector<512x1024xf32>
    %sub3A_87 = arith.subf %dot_general3A_82, %sub3A_86 : vector<512x1024xf32>
    %exp3A_88 = math.exp %sub3A_87 : vector<512x1024xf32>
    %reduce_sum3A_89 = arith.constant dense<0.000000e+00> : vector<512xf32>
    %reduce_sum3A_90 = vector.multi_reduction <add>, %exp3A_88, %reduce_sum3A_89 [1] : vector<512x1024xf32> to vector<512xf32>
    %broadcast_in_dim3A_91 = vector.shape_cast %reduce_sum3A_90 : vector<512xf32> to vector<512x1xf32>
    %slice3A_92 = vector.extract_strided_slice %add3A {offsets = [0, 1], sizes = [512, 1], strides = [1, 1]} : vector<512x8xf32> to vector<512x1xf32>
    %div3A_93 = arith.divf %slice3A_92, %broadcast_in_dim3A_91 : vector<512x1xf32>
    %mul3A_94 = vector.broadcast %div3A_93 : vector<512x1xf32> to vector<512x1024xf32>
    %mul3A_95 = arith.mulf %exp3A_88, %mul3A_94 : vector<512x1024xf32>
    %add3A_96 = arith.addf %add3A_74, %mul3A_95 : vector<512x1024xf32>
    %slice3A_97 = vector.extract_strided_slice %convert_element_type3A_55 {offsets = [0, 256], sizes = [512, 128], strides = [1, 1]} : vector<512x1024xbf16> to vector<512x128xbf16>
    %get3A_98 = arith.constant 2 : index
    %get3A_99 = arith.constant 0 : index
    %get3A_100 = arith.constant 0 : index
    %get3A_101 = vector.load %arg7[%get3A_98, %get3A_99, %get3A_100] : memref<8x128x1024xbf16, #tpu.memory_space<vmem>>, vector<1x128x1024xbf16>
    %get3A_102 = vector.shape_cast %get3A_101 : vector<1x128x1024xbf16> to vector<128x1024xbf16>
    %dot_general3A_103 = arith.constant dense<0.000000e+00> : vector<512x1024xf32>
    %dot_general3A_104 = tpu.matmul %slice3A_97, %get3A_102, %dot_general3A_103 {dimension_numbers = #tpu.dot_dimension_numbers<[1], [0], [0], [1], [0, 0, 1, 1], [], []>, transpose_lhs_hint = false} : vector<512x128xbf16>, vector<128x1024xbf16>, vector<512x1024xf32> -> vector<512x1024xf32>
    %reduce_max3A_105 = arith.constant dense<0xFF800000> : vector<512xf32>
    %reduce_max3A_106 = vector.multi_reduction <maximumf>, %dot_general3A_104, %reduce_max3A_105 [1] : vector<512x1024xf32> to vector<512xf32>
    %broadcast_in_dim3A_107 = vector.shape_cast %reduce_max3A_106 : vector<512xf32> to vector<512x1xf32>
    %sub3A_108 = vector.broadcast %broadcast_in_dim3A_107 : vector<512x1xf32> to vector<512x1024xf32>
    %sub3A_109 = arith.subf %dot_general3A_104, %sub3A_108 : vector<512x1024xf32>
    %exp3A_110 = math.exp %sub3A_109 : vector<512x1024xf32>
    %reduce_sum3A_111 = arith.constant dense<0.000000e+00> : vector<512xf32>
    %reduce_sum3A_112 = vector.multi_reduction <add>, %exp3A_110, %reduce_sum3A_111 [1] : vector<512x1024xf32> to vector<512xf32>
    %broadcast_in_dim3A_113 = vector.shape_cast %reduce_sum3A_112 : vector<512xf32> to vector<512x1xf32>
    %slice3A_114 = vector.extract_strided_slice %add3A {offsets = [0, 2], sizes = [512, 1], strides = [1, 1]} : vector<512x8xf32> to vector<512x1xf32>
    %div3A_115 = arith.divf %slice3A_114, %broadcast_in_dim3A_113 : vector<512x1xf32>
    %mul3A_116 = vector.broadcast %div3A_115 : vector<512x1xf32> to vector<512x1024xf32>
    %mul3A_117 = arith.mulf %exp3A_110, %mul3A_116 : vector<512x1024xf32>
    %add3A_118 = arith.addf %add3A_96, %mul3A_117 : vector<512x1024xf32>
    %slice3A_119 = vector.extract_strided_slice %convert_element_type3A_55 {offsets = [0, 384], sizes = [512, 128], strides = [1, 1]} : vector<512x1024xbf16> to vector<512x128xbf16>
    %get3A_120 = arith.constant 3 : index
    %get3A_121 = arith.constant 0 : index
    %get3A_122 = arith.constant 0 : index
    %get3A_123 = vector.load %arg7[%get3A_120, %get3A_121, %get3A_122] : memref<8x128x1024xbf16, #tpu.memory_space<vmem>>, vector<1x128x1024xbf16>
    %get3A_124 = vector.shape_cast %get3A_123 : vector<1x128x1024xbf16> to vector<128x1024xbf16>
    %dot_general3A_125 = arith.constant dense<0.000000e+00> : vector<512x1024xf32>
    %dot_general3A_126 = tpu.matmul %slice3A_119, %get3A_124, %dot_general3A_125 {dimension_numbers = #tpu.dot_dimension_numbers<[1], [0], [0], [1], [0, 0, 1, 1], [], []>, transpose_lhs_hint = false} : vector<512x128xbf16>, vector<128x1024xbf16>, vector<512x1024xf32> -> vector<512x1024xf32>
    %reduce_max3A_127 = arith.constant dense<0xFF800000> : vector<512xf32>
    %reduce_max3A_128 = vector.multi_reduction <maximumf>, %dot_general3A_126, %reduce_max3A_127 [1] : vector<512x1024xf32> to vector<512xf32>
    %broadcast_in_dim3A_129 = vector.shape_cast %reduce_max3A_128 : vector<512xf32> to vector<512x1xf32>
    %sub3A_130 = vector.broadcast %broadcast_in_dim3A_129 : vector<512x1xf32> to vector<512x1024xf32>
    %sub3A_131 = arith.subf %dot_general3A_126, %sub3A_130 : vector<512x1024xf32>
    %exp3A_132 = math.exp %sub3A_131 : vector<512x1024xf32>
    %reduce_sum3A_133 = arith.constant dense<0.000000e+00> : vector<512xf32>
    %reduce_sum3A_134 = vector.multi_reduction <add>, %exp3A_132, %reduce_sum3A_133 [1] : vector<512x1024xf32> to vector<512xf32>
    %broadcast_in_dim3A_135 = vector.shape_cast %reduce_sum3A_134 : vector<512xf32> to vector<512x1xf32>
    %slice3A_136 = vector.extract_strided_slice %add3A {offsets = [0, 3], sizes = [512, 1], strides = [1, 1]} : vector<512x8xf32> to vector<512x1xf32>
    %div3A_137 = arith.divf %slice3A_136, %broadcast_in_dim3A_135 : vector<512x1xf32>
    %mul3A_138 = vector.broadcast %div3A_137 : vector<512x1xf32> to vector<512x1024xf32>
    %mul3A_139 = arith.mulf %exp3A_132, %mul3A_138 : vector<512x1024xf32>
    %add3A_140 = arith.addf %add3A_118, %mul3A_139 : vector<512x1024xf32>
    %slice3A_141 = vector.extract_strided_slice %convert_element_type3A_55 {offsets = [0, 512], sizes = [512, 128], strides = [1, 1]} : vector<512x1024xbf16> to vector<512x128xbf16>
    %get3A_142 = arith.constant 4 : index
    %get3A_143 = arith.constant 0 : index
    %get3A_144 = arith.constant 0 : index
    %get3A_145 = vector.load %arg7[%get3A_142, %get3A_143, %get3A_144] : memref<8x128x1024xbf16, #tpu.memory_space<vmem>>, vector<1x128x1024xbf16>
    %get3A_146 = vector.shape_cast %get3A_145 : vector<1x128x1024xbf16> to vector<128x1024xbf16>
    %dot_general3A_147 = arith.constant dense<0.000000e+00> : vector<512x1024xf32>
    %dot_general3A_148 = tpu.matmul %slice3A_141, %get3A_146, %dot_general3A_147 {dimension_numbers = #tpu.dot_dimension_numbers<[1], [0], [0], [1], [0, 0, 1, 1], [], []>, transpose_lhs_hint = false} : vector<512x128xbf16>, vector<128x1024xbf16>, vector<512x1024xf32> -> vector<512x1024xf32>
    %reduce_max3A_149 = arith.constant dense<0xFF800000> : vector<512xf32>
    %reduce_max3A_150 = vector.multi_reduction <maximumf>, %dot_general3A_148, %reduce_max3A_149 [1] : vector<512x1024xf32> to vector<512xf32>
    %broadcast_in_dim3A_151 = vector.shape_cast %reduce_max3A_150 : vector<512xf32> to vector<512x1xf32>
    %sub3A_152 = vector.broadcast %broadcast_in_dim3A_151 : vector<512x1xf32> to vector<512x1024xf32>
    %sub3A_153 = arith.subf %dot_general3A_148, %sub3A_152 : vector<512x1024xf32>
    %exp3A_154 = math.exp %sub3A_153 : vector<512x1024xf32>
    %reduce_sum3A_155 = arith.constant dense<0.000000e+00> : vector<512xf32>
    %reduce_sum3A_156 = vector.multi_reduction <add>, %exp3A_154, %reduce_sum3A_155 [1] : vector<512x1024xf32> to vector<512xf32>
    %broadcast_in_dim3A_157 = vector.shape_cast %reduce_sum3A_156 : vector<512xf32> to vector<512x1xf32>
    %slice3A_158 = vector.extract_strided_slice %add3A {offsets = [0, 4], sizes = [512, 1], strides = [1, 1]} : vector<512x8xf32> to vector<512x1xf32>
    %div3A_159 = arith.divf %slice3A_158, %broadcast_in_dim3A_157 : vector<512x1xf32>
    %mul3A_160 = vector.broadcast %div3A_159 : vector<512x1xf32> to vector<512x1024xf32>
    %mul3A_161 = arith.mulf %exp3A_154, %mul3A_160 : vector<512x1024xf32>
    %add3A_162 = arith.addf %add3A_140, %mul3A_161 : vector<512x1024xf32>
    %slice3A_163 = vector.extract_strided_slice %convert_element_type3A_55 {offsets = [0, 640], sizes = [512, 128], strides = [1, 1]} : vector<512x1024xbf16> to vector<512x128xbf16>
    %get3A_164 = arith.constant 5 : index
    %get3A_165 = arith.constant 0 : index
    %get3A_166 = arith.constant 0 : index
    %get3A_167 = vector.load %arg7[%get3A_164, %get3A_165, %get3A_166] : memref<8x128x1024xbf16, #tpu.memory_space<vmem>>, vector<1x128x1024xbf16>
    %get3A_168 = vector.shape_cast %get3A_167 : vector<1x128x1024xbf16> to vector<128x1024xbf16>
    %dot_general3A_169 = arith.constant dense<0.000000e+00> : vector<512x1024xf32>
    %dot_general3A_170 = tpu.matmul %slice3A_163, %get3A_168, %dot_general3A_169 {dimension_numbers = #tpu.dot_dimension_numbers<[1], [0], [0], [1], [0, 0, 1, 1], [], []>, transpose_lhs_hint = false} : vector<512x128xbf16>, vector<128x1024xbf16>, vector<512x1024xf32> -> vector<512x1024xf32>
    %reduce_max3A_171 = arith.constant dense<0xFF800000> : vector<512xf32>
    %reduce_max3A_172 = vector.multi_reduction <maximumf>, %dot_general3A_170, %reduce_max3A_171 [1] : vector<512x1024xf32> to vector<512xf32>
    %broadcast_in_dim3A_173 = vector.shape_cast %reduce_max3A_172 : vector<512xf32> to vector<512x1xf32>
    %sub3A_174 = vector.broadcast %broadcast_in_dim3A_173 : vector<512x1xf32> to vector<512x1024xf32>
    %sub3A_175 = arith.subf %dot_general3A_170, %sub3A_174 : vector<512x1024xf32>
    %exp3A_176 = math.exp %sub3A_175 : vector<512x1024xf32>
    %reduce_sum3A_177 = arith.constant dense<0.000000e+00> : vector<512xf32>
    %reduce_sum3A_178 = vector.multi_reduction <add>, %exp3A_176, %reduce_sum3A_177 [1] : vector<512x1024xf32> to vector<512xf32>
    %broadcast_in_dim3A_179 = vector.shape_cast %reduce_sum3A_178 : vector<512xf32> to vector<512x1xf32>
    %slice3A_180 = vector.extract_strided_slice %add3A {offsets = [0, 5], sizes = [512, 1], strides = [1, 1]} : vector<512x8xf32> to vector<512x1xf32>
    %div3A_181 = arith.divf %slice3A_180, %broadcast_in_dim3A_179 : vector<512x1xf32>
    %mul3A_182 = vector.broadcast %div3A_181 : vector<512x1xf32> to vector<512x1024xf32>
    %mul3A_183 = arith.mulf %exp3A_176, %mul3A_182 : vector<512x1024xf32>
    %add3A_184 = arith.addf %add3A_162, %mul3A_183 : vector<512x1024xf32>
    %slice3A_185 = vector.extract_strided_slice %convert_element_type3A_55 {offsets = [0, 768], sizes = [512, 128], strides = [1, 1]} : vector<512x1024xbf16> to vector<512x128xbf16>
    %get3A_186 = arith.constant 6 : index
    %get3A_187 = arith.constant 0 : index
    %get3A_188 = arith.constant 0 : index
    %get3A_189 = vector.load %arg7[%get3A_186, %get3A_187, %get3A_188] : memref<8x128x1024xbf16, #tpu.memory_space<vmem>>, vector<1x128x1024xbf16>
    %get3A_190 = vector.shape_cast %get3A_189 : vector<1x128x1024xbf16> to vector<128x1024xbf16>
    %dot_general3A_191 = arith.constant dense<0.000000e+00> : vector<512x1024xf32>
    %dot_general3A_192 = tpu.matmul %slice3A_185, %get3A_190, %dot_general3A_191 {dimension_numbers = #tpu.dot_dimension_numbers<[1], [0], [0], [1], [0, 0, 1, 1], [], []>, transpose_lhs_hint = false} : vector<512x128xbf16>, vector<128x1024xbf16>, vector<512x1024xf32> -> vector<512x1024xf32>
    %reduce_max3A_193 = arith.constant dense<0xFF800000> : vector<512xf32>
    %reduce_max3A_194 = vector.multi_reduction <maximumf>, %dot_general3A_192, %reduce_max3A_193 [1] : vector<512x1024xf32> to vector<512xf32>
    %broadcast_in_dim3A_195 = vector.shape_cast %reduce_max3A_194 : vector<512xf32> to vector<512x1xf32>
    %sub3A_196 = vector.broadcast %broadcast_in_dim3A_195 : vector<512x1xf32> to vector<512x1024xf32>
    %sub3A_197 = arith.subf %dot_general3A_192, %sub3A_196 : vector<512x1024xf32>
    %exp3A_198 = math.exp %sub3A_197 : vector<512x1024xf32>
    %reduce_sum3A_199 = arith.constant dense<0.000000e+00> : vector<512xf32>
    %reduce_sum3A_200 = vector.multi_reduction <add>, %exp3A_198, %reduce_sum3A_199 [1] : vector<512x1024xf32> to vector<512xf32>
    %broadcast_in_dim3A_201 = vector.shape_cast %reduce_sum3A_200 : vector<512xf32> to vector<512x1xf32>
    %slice3A_202 = vector.extract_strided_slice %add3A {offsets = [0, 6], sizes = [512, 1], strides = [1, 1]} : vector<512x8xf32> to vector<512x1xf32>
    %div3A_203 = arith.divf %slice3A_202, %broadcast_in_dim3A_201 : vector<512x1xf32>
    %mul3A_204 = vector.broadcast %div3A_203 : vector<512x1xf32> to vector<512x1024xf32>
    %mul3A_205 = arith.mulf %exp3A_198, %mul3A_204 : vector<512x1024xf32>
    %add3A_206 = arith.addf %add3A_184, %mul3A_205 : vector<512x1024xf32>
    %slice3A_207 = vector.extract_strided_slice %convert_element_type3A_55 {offsets = [0, 896], sizes = [512, 128], strides = [1, 1]} : vector<512x1024xbf16> to vector<512x128xbf16>
    %get3A_208 = arith.constant 7 : index
    %get3A_209 = arith.constant 0 : index
    %get3A_210 = arith.constant 0 : index
    %get3A_211 = vector.load %arg7[%get3A_208, %get3A_209, %get3A_210] : memref<8x128x1024xbf16, #tpu.memory_space<vmem>>, vector<1x128x1024xbf16>
    %get3A_212 = vector.shape_cast %get3A_211 : vector<1x128x1024xbf16> to vector<128x1024xbf16>
    %dot_general3A_213 = arith.constant dense<0.000000e+00> : vector<512x1024xf32>
    %dot_general3A_214 = tpu.matmul %slice3A_207, %get3A_212, %dot_general3A_213 {dimension_numbers = #tpu.dot_dimension_numbers<[1], [0], [0], [1], [0, 0, 1, 1], [], []>, transpose_lhs_hint = false} : vector<512x128xbf16>, vector<128x1024xbf16>, vector<512x1024xf32> -> vector<512x1024xf32>
    %reduce_max3A_215 = arith.constant dense<0xFF800000> : vector<512xf32>
    %reduce_max3A_216 = vector.multi_reduction <maximumf>, %dot_general3A_214, %reduce_max3A_215 [1] : vector<512x1024xf32> to vector<512xf32>
    %broadcast_in_dim3A_217 = vector.shape_cast %reduce_max3A_216 : vector<512xf32> to vector<512x1xf32>
    %sub3A_218 = vector.broadcast %broadcast_in_dim3A_217 : vector<512x1xf32> to vector<512x1024xf32>
    %sub3A_219 = arith.subf %dot_general3A_214, %sub3A_218 : vector<512x1024xf32>
    %exp3A_220 = math.exp %sub3A_219 : vector<512x1024xf32>
    %reduce_sum3A_221 = arith.constant dense<0.000000e+00> : vector<512xf32>
    %reduce_sum3A_222 = vector.multi_reduction <add>, %exp3A_220, %reduce_sum3A_221 [1] : vector<512x1024xf32> to vector<512xf32>
    %broadcast_in_dim3A_223 = vector.shape_cast %reduce_sum3A_222 : vector<512xf32> to vector<512x1xf32>
    %slice3A_224 = vector.extract_strided_slice %add3A {offsets = [0, 7], sizes = [512, 1], strides = [1, 1]} : vector<512x8xf32> to vector<512x1xf32>
    %div3A_225 = arith.divf %slice3A_224, %broadcast_in_dim3A_223 : vector<512x1xf32>
    %mul3A_226 = vector.broadcast %div3A_225 : vector<512x1xf32> to vector<512x1024xf32>
    %mul3A_227 = arith.mulf %exp3A_220, %mul3A_226 : vector<512x1024xf32>
    %add3A_228 = arith.addf %add3A_206, %mul3A_227 : vector<512x1024xf32>
    %get3A_229 = arith.constant 0 : index
    %get3A_230 = arith.constant 0 : index
    %get3A_231 = vector.load %arg8[%get3A_229, %get3A_230] : memref<1024x2xf32, #tpu.memory_space<vmem>>, vector<1024x2xf32>
    %dot_general3A_232 = arith.constant dense<0.000000e+00> : vector<512x2xf32>
    %dot_general3A_233 = tpu.matmul %add3A_228, %get3A_231, %dot_general3A_232 {dimension_numbers = #tpu.dot_dimension_numbers<[1], [0], [0], [1], [0, 0, 1, 1], [], []>, transpose_lhs_hint = false} : vector<512x1024xf32>, vector<1024x2xf32>, vector<512x2xf32> -> vector<512x2xf32>
    %swap3A_234 = arith.constant 0 : index
    %swap3A_235 = arith.constant 0 : index
    %swap3A_236 = vector.load %arg9[%swap3A_234, %swap3A_235] : memref<512x2xf32, #tpu.memory_space<vmem>>, vector<512x2xf32>
    tpu.vector_store %arg9[%swap3A_234, %swap3A_235], %dot_general3A_233 {strides = array<i32>} : memref<512x2xf32, #tpu.memory_space<vmem>>, vector<512x2xf32>,
    %eq3A_237 = arith.constant 15 : i32
    %eq3A_238 = arith.cmpi eq, %arg0, %eq3A_237 : i32
    %convert_element_type3A_239 = arith.extui %eq3A_238 : i1 to i32
    %cond3A_240 = arith.constant 0 : i32
    %cond3A_241 = arith.cmpi ne, %convert_element_type3A_239, %cond3A_240 : i32
    scf.if %cond3A_241 {
      %get3A_242 = arith.constant 0 : index
      %get3A_243 = arith.constant 0 : index
      %get3A_244 = vector.load %arg11[%get3A_242, %get3A_243] : memref<1x8xf32, #tpu.memory_space<vmem>>, vector<1x8xf32>
      %reduce_sum3A_245 = vector.shape_cast %get3A_244 : vector<1x8xf32> to vector<1x1x8xf32>
      %reduce_sum3A_246 = arith.constant dense<0.000000e+00> : vector<1xf32>
      %reduce_sum3A_247 = vector.multi_reduction <add>, %reduce_sum3A_245, %reduce_sum3A_246 [1, 2] : vector<1x1x8xf32> to vector<1xf32>
      %reduce_sum3A_248 = vector.shape_cast %reduce_sum3A_247 : vector<1xf32> to vector<1x1x1xf32>
      %reduce_sum3A_249 = vector.extract %reduce_sum3A_248[0, 0, 0] : f32 from vector<1x1x1xf32>
      %div3A_250 = arith.constant 8.000000e+00 : f32
      %div3A_251 = arith.divf %reduce_sum3A_249, %div3A_250 : f32
      %sub3A_252 = vector.broadcast %div3A_251 : f32 to vector<1x8xf32>
      %sub3A_253 = arith.subf %get3A_244, %sub3A_252 : vector<1x8xf32>
      %mul3A_254 = arith.mulf %sub3A_253, %sub3A_253 : vector<1x8xf32>
      %reduce_sum3A_255 = vector.shape_cast %mul3A_254 : vector<1x8xf32> to vector<1x1x8xf32>
      %reduce_sum3A_256 = arith.constant dense<0.000000e+00> : vector<1xf32>
      %reduce_sum3A_257 = vector.multi_reduction <add>, %reduce_sum3A_255, %reduce_sum3A_256 [1, 2] : vector<1x1x8xf32> to vector<1xf32>
      %reduce_sum3A_258 = vector.shape_cast %reduce_sum3A_257 : vector<1xf32> to vector<1x1x1xf32>
      %reduce_sum3A_259 = vector.extract %reduce_sum3A_258[0, 0, 0] : f32 from vector<1x1x1xf32>
      %div3A_260 = arith.constant 7.000000e+00 : f32
      %div3A_261 = arith.divf %reduce_sum3A_259, %div3A_260 : f32
      %mul3A_262 = arith.mulf %div3A_251, %div3A_251 : f32
      %add3A_263 = arith.constant 1.000000e-10 : f32
      %add3A_264 = arith.addf %mul3A_262, %add3A_263 : f32
      %div3A_265 = arith.divf %div3A_261, %add3A_264 : f32
      %get3A_266 = arith.constant 0 : index
      %get3A_267 = arith.constant 0 : index
      %get3A_268 = vector.load %arg12[%get3A_266, %get3A_267] : memref<1x8xf32, #tpu.memory_space<vmem>>, vector<1x8xf32>
      %reduce_sum3A_269 = vector.shape_cast %get3A_268 : vector<1x8xf32> to vector<1x1x8xf32>
      %reduce_sum3A_270 = arith.constant dense<0.000000e+00> : vector<1xf32>
      %reduce_sum3A_271 = vector.multi_reduction <add>, %reduce_sum3A_269, %reduce_sum3A_270 [1, 2] : vector<1x1x8xf32> to vector<1xf32>
      %reduce_sum3A_272 = vector.shape_cast %reduce_sum3A_271 : vector<1xf32> to vector<1x1x1xf32>
      %reduce_sum3A_273 = vector.extract %reduce_sum3A_272[0, 0, 0] : f32 from vector<1x1x1xf32>
      %div3A_274 = arith.constant 8.000000e+00 : f32
      %div3A_275 = arith.divf %reduce_sum3A_273, %div3A_274 : f32
      %sub3A_276 = vector.broadcast %div3A_275 : f32 to vector<1x8xf32>
      %sub3A_277 = arith.subf %get3A_268, %sub3A_276 : vector<1x8xf32>
      %mul3A_278 = arith.mulf %sub3A_277, %sub3A_277 : vector<1x8xf32>
      %reduce_sum3A_279 = vector.shape_cast %mul3A_278 : vector<1x8xf32> to vector<1x1x8xf32>
      %reduce_sum3A_280 = arith.constant dense<0.000000e+00> : vector<1xf32>
      %reduce_sum3A_281 = vector.multi_reduction <add>, %reduce_sum3A_279, %reduce_sum3A_280 [1, 2] : vector<1x1x8xf32> to vector<1xf32>
      %reduce_sum3A_282 = vector.shape_cast %reduce_sum3A_281 : vector<1xf32> to vector<1x1x1xf32>
      %reduce_sum3A_283 = vector.extract %reduce_sum3A_282[0, 0, 0] : f32 from vector<1x1x1xf32>
      %div3A_284 = arith.constant 7.000000e+00 : f32
      %div3A_285 = arith.divf %reduce_sum3A_283, %div3A_284 : f32
      %mul3A_286 = arith.mulf %div3A_275, %div3A_275 : f32
      %add3A_287 = arith.constant 1.000000e-10 : f32
      %add3A_288 = arith.addf %mul3A_286, %add3A_287 : f32
      %div3A_289 = arith.divf %div3A_285, %add3A_288 : f32
      %add3A_290 = arith.addf %div3A_265, %div3A_289 : f32
      %mul3A_291 = arith.constant 0.00999999977 : f32
      %mul3A_292 = arith.mulf %add3A_290, %mul3A_291 : f32
      %broadcast_in_dim3A_293 = vector.broadcast %mul3A_292 : f32 to vector<1x1xf32>
      %swap3A_294 = arith.constant 0 : index
      %swap3A_295 = arith.constant 0 : index
      %swap3A_296 = vector.load %arg10[%swap3A_294, %swap3A_295] : memref<1x1xf32, #tpu.memory_space<vmem>>, vector<1x1xf32>
      tpu.vector_store %arg10[%swap3A_294, %swap3A_295], %broadcast_in_dim3A_293 {strides = array<i32>} : memref<1x1xf32, #tpu.memory_space<vmem>>, vector<1x1xf32>,
    } else {
    }
    return
  }
  func.func @transform_0(%arg0: i32) -> (i32, i32) {
    %c0_i32 = arith.constant 0 : i32
    %c0_i32_0 = arith.constant 0 : i32
    return %arg0, %c0_i32 : i32, i32
  }
  func.func @transform_1(%arg0: i32) -> (i32, i32) {
    %c0_i32 = arith.constant 0 : i32
    %c0_i32_0 = arith.constant 0 : i32
    return %arg0, %c0_i32 : i32, i32
  }
  func.func @transform_2(%arg0: i32) -> (i32, i32) {
    %c0_i32 = arith.constant 0 : i32
    %c0_i32_0 = arith.constant 0 : i32
    return %arg0, %c0_i32 : i32, i32
  }
  func.func @transform_3(%arg0: i32) -> (i32, i32) {
    %c0_i32 = arith.constant 0 : i32
    %c0_i32_0 = arith.constant 0 : i32
    return %arg0, %c0_i32 : i32, i32
  }
  func.func @transform_4(%arg0: i32) -> (i32, i32) {
    %c0_i32 = arith.constant 0 : i32
    %c0_i32_0 = arith.constant 0 : i32
    return %arg0, %c0_i32 : i32, i32
  }
  func.func @transform_5(%arg0: i32) -> (i32, i32) {
    %c0_i32 = arith.constant 0 : i32
    %c0_i32_0 = arith.constant 0 : i32
    %c0_i32_1 = arith.constant 0 : i32
    return %c0_i32, %c0_i32_0 : i32, i32
  }
  func.func @transform_6(%arg0: i32) -> (i32, i32, i32) {
    %c0_i32 = arith.constant 0 : i32
    %c0_i32_0 = arith.constant 0 : i32
    %c0_i32_1 = arith.constant 0 : i32
    %c0_i32_2 = arith.constant 0 : i32
    return %c0_i32, %c0_i32_0, %c0_i32_1 : i32, i32, i32
  }
  func.func @transform_7(%arg0: i32) -> (i32, i32) {
    %c0_i32 = arith.constant 0 : i32
    %c0_i32_0 = arith.constant 0 : i32
    %c0_i32_1 = arith.constant 0 : i32
    return %c0_i32, %c0_i32_0 : i32, i32
  }
  func.func @transform_8(%arg0: i32) -> (i32, i32) {
    %c0_i32 = arith.constant 0 : i32
    %c0_i32_0 = arith.constant 0 : i32
    return %arg0, %c0_i32 : i32, i32
  }
  func.func @transform_9(%arg0: i32) -> (i32, i32) {
    %c0_i32 = arith.constant 0 : i32
    %c0_i32_0 = arith.constant 0 : i32
    %c0_i32_1 = arith.constant 0 : i32
    return %c0_i32, %c0_i32_0 : i32, i32
  }
}

</mosaic_0001>

<sc_bundles>
// kernel: kernel.5.cloned.1.call-start
scs
__scs_entry_jumppad:
0x0: {  	(pc) =	sbr.rel $0x88, $3  }
0x1: {  	(tag) =	ssettag $0x0;
	lr =	simm.s32 $0x1  }
0x2: {  	[smem:$0x3F9C] =	sst lr;
	_ =	strace $0xD0000000  }
0x3: {  	_ = 	snop  }
0x4: {  	_ = 	snop  }
0x5: {  	_ = 	snop  }
0x6: {  	_ = 	snop  }
0x7: {  	_ = 	snop  }
__scs_overlays_trampoline_lowered:
0x8: {  	[smem:$0x3FAB] =	sst s0  }
0x9: {  	[smem:$0x3FAC] =	sst s1  }
0xa: {  	[smem:$0x3FAD] =	sst s2  }
0xb: {  	[smem:$0x3FAE] =	sst s3  }
0xc: {  	[smem:$0x3FAF] =	sst s4  }
0xd: {  	[smem:$0x3FB0] =	sst s5  }
0xe: {  	[smem:$0x3FB1] =	sst s6  }
0xf: {  	[smem:$0x3FB2] =	sst s7  }
0x10: {  	[smem:$0x3FB3] =	sst s8  }
0x11: {  	[smem:$0x3FB4] =	sst s9;
	s0 =	simm.s32 @!p0 $0x0  }
0x12: {  	s1 =	sld [smem:$0x3F9A];
	s0 =	simm.s32 @p0 $0x1  }
0x13: {  	[smem:$0x3FB5] =	sst s0;
	s0 =	simm.s32 @!p1 $0x0  }
0x14: {  	s2 =	sld [smem:$0x3F99];
	s0 =	simm.s32 @p1 $0x1  }
0x15: {  	[smem:$0x3FB6] =	sst s0;
	s0 =	simm.s32 @!p2 $0x0  }
0x16: {  	s3 =	sld [smem:$0x3FDB];
	s0 =	simm.s32 @p2 $0x1  }
0x17: {  	s4 =	simm.s32 $0x1BF5;
	[smem:$0x3FB8] =	sst s0  }
0x18: {  	s0 =	sld [smem:$0x3F9B];
	_ =	swait.ge [sflag:s4], $0x0  }
0x19: {  	s7 =	sld [smem:$0x3F9C]  }
0x1a: {  	s8 =	sadd.s32 $0xFFFFE003, lr  }
0x1b: {  	s9 =	sadd.s32 $0xFFFFFEF7, lr;
	s5 =	simm.s32 $0xFFFFFFFF;
	p2 =	slt.u32 s8, $0xFFFFF086  }
0x1c: {  	p1 =	slt.u32 s9, $0xF7A;
	s5 =	simm.s32 @!p2 $0x0  }
0x1d: {  	s5 =	simm.s32 @p1 $0x1;
	p0 =	seq.s32 s7, s2  }
0x1e: {  	s7 =	smul.u32 @!p0 $0xF7A, s2;
	p2 =	seq.s32 @!p0 s5, $0x0  }
0x1f: {  	s9 =	smul.u32 $0xF7A, s1;
	s8 =	simm.s32 @!p0 $0x1BF5;
	p2 =	por !p2, p0  }
0x20: {  	[sflag:s8] =	ssyncset.s32 @!p0 $0xFFFFF086;
	s6 =	sadd.s32 @!p0 s3, s7;
	s7 =	simm.s32 @!p0 $0x108  }
0x21: {  	s3 =	sadd.s32 s3, s9;
	s6 =	sadd.s32 @!p0 $0x88, s6;
	s7 =	simm.s32 @p2 $0x1082  }
0x22: {  	[simem:s7], [sflag:s8] =	dma.local @!p0 [hbm:s6], $0xF7A  }
0x23: {  	s9 =	sor.u32 $0xD0000000, s2;
	s6 =	simm.s32 $0x108;
	_ =	swait.ge @!p0 [sflag:s8], $0x0  }
0x24: {  	s3 =	sadd.s32 $0x88, s3;
	s6 =	simm.s32 @!p1 $0x1082;
	[sflag:s4] =	ssyncset.s32 $0xFFFFF086  }
0x25: {  	[simem:s6], [sflag:s4] =	dma.local [hbm:s3], $0xF7A  }
0x26: {  	[smem:$0x3F9C] =	sst s1;
	(tag) =	ssettag s2;
	_ =	strace s9  }
0x27: {  	s1 =	sld [smem:$0x3FAC]  }
0x28: {  	s2 =	sld [smem:$0x3FAD]  }
0x29: {  	s4 =	sld [smem:$0x3FAF]  }
0x2a: {  	p0 =	seq.s32 s5, $0x0;
	s5 =	sld [smem:$0x3FB0]  }
0x2b: {  	s6 =	sld [smem:$0x3FB1]  }
0x2c: {  	s7 =	sld [smem:$0x3FB2]  }
0x2d: {  	s3 =	simm.s32 $0x108;
	s8 =	sld [smem:$0x3FB3]  }
0x2e: {  	s3 =	simm.s32 @!p0 $0x1082;
	s9 =	sld [smem:$0x3FB4]  }
0x2f: {  	lr =	sadd.s32 s0, s3;
	s0 =	sld [smem:$0x3FAB]  }
0x30: {  	s3 =	sld [smem:$0x3FAE]  }
0x31: {  	[smem:$0x3FB7] =	sst s10  }
0x32: {  	s10 =	sld [smem:$0x3FB5];
	_ =	sdelay $0x3  }
0x33: {  	p0 =	seq.s32 s10, $0x1;
	s10 =	sld [smem:$0x3FB7];
	_ =	sdelay $0x3  }
0x34: {  	[smem:$0x3FB7] =	sst s10  }
0x35: {  	s10 =	sld [smem:$0x3FB6];
	_ =	sdelay $0x3  }
0x36: {  	p1 =	seq.s32 s10, $0x1;
	s10 =	sld [smem:$0x3FB7];
	_ =	sdelay $0x3  }
0x37: {  	[smem:$0x3FB7] =	sst s10  }
0x38: {  	s10 =	sld [smem:$0x3FB8]  }
0x39: {  	_ = 	snop;
	(pc) =	sbr.ind lr, $3  }
0x3a: {  	_ = 	snop  }
0x3b: {  	_ = 	snop  }
0x3c: {  	p2 =	seq.s32 s10, $0x1;
	s10 =	sld [smem:$0x3FB7]  }
0x3d: {  	_ =	shalt  }
0x3e: {  	_ =	shalt  }
0x3f: {  	_ =	shalt  }
0x40: {  	_ =	shalt  }
0x41: {  	_ =	shalt  }
0x42: {  	_ =	shalt  }
0x43: {  	_ =	shalt  }
0x44: {  	_ =	shalt  }
0x45: {  	_ =	shalt  }
0x46: {  	_ =	shalt  }
0x47: {  	_ =	shalt  }
0x48: {  	_ =	shalt  }
0x49: {  	_ =	shalt  }
0x4a: {  	_ =	shalt  }
0x4b: {  	_ =	shalt  }
0x4c: {  	_ =	shalt  }
0x4d: {  	_ =	shalt  }
0x4e: {  	_ =	shalt  }
0x4f: {  	_ =	shalt  }
0x50: {  	_ =	shalt  }
0x51: {  	_ =	shalt  }
0x52: {  	_ =	shalt  }
0x53: {  	_ =	shalt  }
0x54: {  	_ =	shalt  }
0x55: {  	_ =	shalt  }
0x56: {  	_ =	shalt  }
0x57: {  	_ =	shalt  }
0x58: {  	_ =	shalt  }
0x59: {  	_ =	shalt  }
0x5a: {  	_ =	shalt  }
0x5b: {  	_ =	shalt  }
0x5c: {  	_ =	shalt  }
0x5d: {  	_ =	shalt  }
0x5e: {  	_ =	shalt  }
0x5f: {  	_ =	shalt  }
0x60: {  	_ =	shalt  }
0x61: {  	_ =	shalt  }
0x62: {  	_ =	shalt  }
0x63: {  	_ =	shalt  }
0x64: {  	_ =	shalt  }
0x65: {  	_ =	shalt  }
0x66: {  	_ =	shalt  }
0x67: {  	_ =	shalt  }
0x68: {  	_ =	shalt  }
0x69: {  	_ =	shalt  }
0x6a: {  	_ =	shalt  }
0x6b: {  	_ =	shalt  }
0x6c: {  	_ =	shalt  }
0x6d: {  	_ =	shalt  }
0x6e: {  	_ =	shalt  }
0x6f: {  	_ =	shalt  }
0x70: {  	_ =	shalt  }
0x71: {  	_ =	shalt  }
0x72: {  	_ =	shalt  }
0x73: {  	_ =	shalt  }
0x74: {  	_ =	shalt  }
0x75: {  	_ =	shalt  }
0x76: {  	_ =	shalt  }
0x77: {  	_ =	shalt  }
0x78: {  	_ =	shalt  }
0x79: {  	_ =	shalt  }
0x7a: {  	_ =	shalt  }
0x7b: {  	_ =	shalt  }
0x7c: {  	_ =	shalt  }
0x7d: {  	_ =	shalt  }
0x7e: {  	_ =	shalt  }
0x7f: {  	_ =	shalt  }
0x80: {  	_ =	shalt  }
0x81: {  	_ =	shalt  }
0x82: {  	_ =	shalt  }
0x83: {  	_ =	shalt  }
0x84: {  	_ =	shalt  }
0x85: {  	_ =	shalt  }
0x86: {  	_ =	shalt  }
0x87: {  	_ =	shalt  }
.Lfunc_end0:
.L_simem_size_0:
called_computation_lowered:
.L_overlay_start_0:
0x88: {  	s2 =	sld [smem:$0x3FD9]  }
0x89: {  	s3 =	sld [smem:$0x3FFE];
	_ =	sdelay $0x1  }
0x8a: {  	s1 =	srdreg.scid  }
0x8b: {  	s0 =	sand.u32 $0x1, s1  }
0x8c: {  	s14 =	sshll.u32 s0, $0xA;
	s2 =	sadd.s32 s3, s2  }
0x8d: {  	s2 =	sadd.s32 s2, s14  }
0x8e: {  	[smem:$0x3FC3] =	sst s2  }
0x8f: {  	_ = 	snop  }
0x90: {  	s2 =	sld [smem:$0x3FD0];
	_ =	sdelay $0x2  }
0x91: {  	s15 =	simm.s32 $0xA;
	s4 =	simm.s32 $0x10  }
0x92: {  	[smem:s4], [sflag:s15] =	dma.local [hbm:s2], $0x1  }
0x93: {  	_ =	swait.eq [sflag:s15], $0x1  }
0x94: {  	[sflag:s15] =	ssyncset.done $0x0  }
0x95: {  	[sflag:s15] =	ssyncadd.s32 $0xFFFFFFFF  }
0x96: {  	s16 =	sld [smem:$0x10];
	(tm) =	ssettm $0x1  }
0x97: {  	s17 =	sld [smem:$0x3FFB];
	_ =	sdelay $0x3  }
0x98: {  	_ =	strace s17  }
0x99: {  	s3 =	sld [smem:$0x3FFC];
	_ =	sdelay $0x3  }
0x9a: {  	_ =	strace s3  }
0x9b: {  	s3 =	sld [smem:$0x3FFD];
	_ =	sdelay $0x3  }
0x9c: {  	_ =	strace s3  }
0x9d: {  	_ =	strace $0x8FFFFFFF  }
0x9e: {  	s18 =	sld [smem:$0x3FDB];
	_ =	sdelay $0x1  }
0x9f: {  	s19 =	simm.s32 $_scs_section_size  }
0xa0: {  	s5 =	simm.s32 $_size__tile_overlayer_lowered;
	s6 =	simm.s32 $_tile_overlayer_lowered  }
0xa1: {  	s22 =	simm.s32 $0x1BFF;
	s21 =	sshll.u32 s6, $0x1;
	s3 =	sadd.s32 s19, s18  }
0xa2: {  	s7 =	simm.s32 $0x0;
	s20 =	sshll.u32 s5, $0x1;
	s5 =	sadd.s32 s21, s3  }
0xa3: {  	[timem:s7], [sflag:s22] =	dma.local [hbm:s5], s20  }
0xa4: {  	_ =	swait.ge [sflag:s22], s20  }
0xa5: {  	s4 =	ssub.s32 $0x0, s20;
	[sflag:s22] =	ssyncset.done $0x0  }
0xa6: {  	[sflag:s22] =	ssyncadd.s32 s4;
	_ =	sdelay $0x1  }
0xa7: {  	s23 =	simm.s32 $0x1B8B  }
0xa8: {  	_ =	swait.ge [sflag:s23], $0x1  }
0xa9: {  	[sflag:s23] =	ssyncset.done $0x0  }
0xaa: {  	s25 =	simm.s32 $0x1B8E;
	s24 =	sld [smem:$0x3FFE];
	[sflag:s23] =	ssyncadd.s32 $0xFFFFFFFF  }
0xab: {  	s26 =	simm.s32 $execute0_lowered;
	[smem:$0x3FD2] =	sst s25  }
0xac: {  	s5 =	sshll.u32 s26, $0x1;
	_ =	strace $0x80000046;
	[dreg:$0x1] =	wrdreg $0xFFFFFFFF  }
0xad: {  	s28 =	simm.s32 $_size_execute0_lowered;
	s3 =	sadd.s32 s3, s5;
	[dreg:$0x0] =	wrdreg $0x0  }
0xae: {  	s5 =	sshll.u32 s28, $0x1;
	[dreg:$0x2] =	wrdreg s3  }
0xaf: {  	[dreg:$0x3] =	wrdreg s5  }
0xb0: {  	[dreg:$0x4] =	wrdreg $0xC0  }
0xb1: {  	_ =	task [dreg:s7], $0x5FFFF  }
0xb2: {  	[dreg:$0x1] =	wrdreg $0xFFFFFFFF  }
0xb3: {  	[dreg:$0x0] =	wrdreg $0x60  }
0xb4: {  	[dreg:$0x2] =	wrdreg s24  }
0xb5: {  	[dreg:$0x3] =	wrdreg s16  }
0xb6: {  	[dreg:$0x4] =	wrdreg $0x9  }
0xb7: {  	_ =	task.clear_ibuf [dreg:s7], $0x5FFFF;
	_ =	strace $0x90000046  }
0xb8: {  	s29 =	simm.s32 $0x9;
	_ =	strace $0x80000048  }
0xb9: {  	_ =	swait.ge [sflag:s29], $0x1  }
0xba: {  	[sflag:s29] =	ssyncadd.s32 $0xFFFFFFFF  }
0xbb: {  	_ =	strace $0x90000048  }
0xbc: {  	_ =	sfence  }
0xbd: {  	s30 =	sld [smem:$0x0];
	_ =	sdelay $0x2  }
0xbe: {  	s31 =	sshll.u32 s1, $0xD;
	s1 =	sshrl.u32 s1, $0x2  }
0xbf: {  	s3 =	sand.u32 $0x4000, s31;
	s1 =	sadd.s32 s1, s30  }
0xc0: {  	s0 =	sor.u32 s3, s0;
	s1 =	sshll.u32 s1, $0x11  }
0xc1: {  	s0 =	sor.u32 s1, s0  }
0xc2: {  	s0 =	sadd.s32 $0x8F2B, s0  }
0xc3: {  	[sflag:s0] =	ssyncadd.remote.s32 $0x1  }
0xc4: {  	_ =	sfence.sel $0xFFFF  }
0xc5: {  	[dreg:$0x0] =	wrdreg $0xFFFFFFFF;
	(pc) =	sbr.abs _section_cstart, $3  }
0xc6: {  	[dreg:$0x1] =	wrdreg $0xFFFFFFFF  }
0xc7: {  	_ =	task.clear_ibuf [dreg:s7], $0x2FFFF;
	_ =	strace $0x9FFFFFFF  }
0xc8: {  	(tm) =	ssettm $0x7FFFFFFF  }
0xc9: {  	_ =	shalt  }
tec
execute0_lowered:
.L_overlay_start_1:
0x0: {  	(tag) =	ssettag $0x1  }
0x1: {  	s3 =	rddreg [dreg:$0x0]  }
0x2: {  	s4 =	rddreg [dreg:$0x1]  }
0x3: {  	s0 =	rddreg [dreg:$0x2];
	s5 =	srdreg.scid  }
0x4: {  	s2 =	simm.s32 $0x0;
	s1 =	stileid.u32;
	s10 =	simm.s32 $0x8000  }
0x5: {  	s11 =	simm.s32 $0x8100;
	s12 =	simm.s32 $0x8200;
	s13 =	simm.s32 $0x8300  }
0x6: {  	s14 =	simm.s32 $0x0;
	s5 =	sand.u32 $0x1, s5;
	[smem:$0x7FF] =	sst s2  }
0x7: {  	s6 =	sshll.u32 s1, $0x9;
	s7 =	sshll.u32 s5, $0x8;
	s5 =	ssub.s32 $0x2, s5  }
0x8: {  	_ =	strace $0x80000047;
	s6 =	sor.u32 s7, s6;
	s8 =	sshrl.u32 s5, $0x1  }
0x9: {  	s7 =	sshll.u32 s6, $0x4;
	s6 =	sshrl.u32 s6, $0x3;
	s8 =	ssub.s32 s5, s8  }
0xa: {  	s7 =	sadd.s32 s7, s3;
	s9 =	sadd.s32 s6, s3;
	s4 =	sadd.s32 s4, s6  }
0xb: {  	v0 =	vlaneseq.u32;
	s8 =	smax.u32 s8, $0x1;
	s3 =	sadd.s32 $0x1800, s7;
	s5 =	sadd.s32 $0x21800, s9  }
0xc: {  	v1 =	vimm.s32 $0x0;
	v0 =	vmul.u32 $0x80, v0;
	s6 =	sadd.s32 $0x21C00, s9;
	s7 =	sadd.s32 $0x22000, s9;
	s9 =	simm.s32 $0x1  }
.LBB2_1:
0xd: {  	v2 =	vmov s2  }
0xe: {  	v2 =	vshll.u32 v2, $0x7  }
0xf: {  	v2 =	vor.u32 v0, v2  }
0x10: {  	[tilespmem:s2], [sflag:$0x1] =	stream.linear.gather [hbm4b:s3+s2], $0x8000, $0x38;
	v3 =	vor.u32 $0x1, v2;
	[tilespmem:$0x8400] =	vst v63  }
0x11: {  	_ =	swait.ge [sflag:s9], $0x8000  }
0x12: {  	[sflag:s9] =	ssyncset.done $0x0;
	v4 =	vor.u32 $0x2, v2  }
0x13: {  	[sflag:s9] =	ssyncadd.s32 $0xFFFF8000  }
0x14: {  	v5 =	vor.u32 $0x3, v2;
	v6 =	vld.idx.msk [tilespmem:v2+s2+$0x0], $0xffff  }
0x15: {  	v3 =	vld.idx.msk [tilespmem:v3+s2+$0x0], $0xffff  }
0x16: {  	v7 =	vor.u32 $0x4, v2  }
0x17: {  	v4 =	vld.idx.msk [tilespmem:v4+s2+$0x0], $0xffff  }
0x18: {  	v8 =	vor.u32 $0x5, v2  }
0x19: {  	v5 =	vld.idx.msk [tilespmem:v5+s2+$0x0], $0xffff  }
0x1a: {  	v9 =	vor.u32 $0x6, v2;
	vm0 =	vgt.f32 v3, v6  }
0x1b: {  	v7 =	vld.idx.msk [tilespmem:v7+s2+$0x0], $0xffff;
	v10 =	vsel vm0, v3, v6  }
0x1c: {  	v2 =	vor.u32 $0x7, v2;
	vm1 =	vgt.f32 v4, v10  }
0x1d: {  	v8 =	vld.idx.msk [tilespmem:v8+s2+$0x0], $0xffff;
	v10 =	vsel vm1, v4, v10  }
0x1e: {  	vm2 =	vgt.f32 v5, v10  }
0x1f: {  	v9 =	vld.idx.msk [tilespmem:v9+s2+$0x0], $0xffff;
	v10 =	vsel vm2, v5, v10  }
0x20: {  	vm3 =	vgt.f32 v7, v10  }
0x21: {  	v2 =	vld.idx.msk [tilespmem:v2+s2+$0x0], $0xffff;
	v10 =	vsel vm3, v7, v10  }
0x22: {  	v11 =	vsel vm0, $0x1, v1;
	vm14 =	vgt.f32 v8, v10  }
0x23: {  	v11 =	vsel vm1, $0x2, v11;
	v10 =	vsel vm14, v8, v10  }
0x24: {  	v11 =	vsel vm2, $0x3, v11;
	vm15 =	vgt.f32 v9, v10  }
0x25: {  	v11 =	vsel vm3, $0x4, v11;
	v10 =	vsel vm15, v9, v10  }
0x26: {  	v11 =	vsel vm14, $0x5, v11;
	vm4 =	vgt.f32 v2, v10  }
0x27: {  	v11 =	vsel vm15, $0x6, v11;
	vm0 =	vmneg vm4  }
0x28: {  	v11 =	vnsel vm0, $0x7, v11  }
0x29: {  	vm6 =	vgt.f32 v6, $-3.000000010e+38;
	vm5 =	vne.s32 v11, $0x0  }
0x2a: {  	vm1 =	vmand vm6, vm5  }
0x2b: {  	v6 =	vnsel vm1, $0xFF61B1E6, v6  }
0x2c: {  	vm7 =	vne.s32 v11, $0x1;
	vm8 =	vgt.f32 v3, v6  }
0x2d: {  	vm1 =	vmand vm7, vm8  }
0x2e: {  	v3 =	vsel vm1, v3, v6  }
0x2f: {  	vm9 =	vne.s32 v11, $0x2;
	vm10 =	vgt.f32 v4, v3  }
0x30: {  	vm2 =	vmand vm9, vm10  }
0x31: {  	v3 =	vsel vm2, v4, v3  }
0x32: {  	vm11 =	vne.s32 v11, $0x3;
	vm4 =	vgt.f32 v5, v3  }
0x33: {  	vm3 =	vmand vm11, vm4  }
0x34: {  	v3 =	vsel vm3, v5, v3  }
0x35: {  	vm12 =	vne.s32 v11, $0x4;
	vm5 =	vgt.f32 v7, v3  }
0x36: {  	vm4 =	vmand vm12, vm5  }
0x37: {  	v3 =	vsel vm4, v7, v3  }
0x38: {  	vm13 =	vne.s32 v11, $0x5;
	vm6 =	vgt.f32 v8, v3  }
0x39: {  	vm5 =	vmand vm13, vm6  }
0x3a: {  	v3 =	vsel vm5, v8, v3  }
0x3b: {  	vm14 =	vne.s32 v11, $0x6;
	vm7 =	vgt.f32 v9, v3  }
0x3c: {  	vm6 =	vmand vm14, vm7  }
0x3d: {  	v3 =	vsel vm6, v9, v3  }
0x3e: {  	vm15 =	vgt.f32 v2, v3  }
0x3f: {  	vm7 =	vmand vm0, vm15  }
0x40: {  	v4 =	vsel vm0, v10, v2;
	v2 =	vsel vm7, v2, v3  }
0x41: {  	v2 =	vsub.f32 v2, v4;
	_ =	sdelay $0x1  }
0x42: {  	v2 =	vmul.f32 $1.442695020e+00, v2;
	_ =	sdelay $0x1  }
0x43: {  	(erf) = vpow2.f32 v2;
	_ =	sdelay $0x8  }
0x44: {  	v2 =	vpop (erf)  }
0x45: {  	v2 =	vadd.f32 $1.000000000e+00, v2;
	_ =	sdelay $0x1  }
0x46: {  	(erf) = vrcp.f32 v2;
	v2 =	vsel vm1, $0x1, v1  }
0x47: {  	v2 =	vsel vm2, $0x2, v2  }
0x48: {  	v2 =	vsel vm3, $0x3, v2  }
0x49: {  	v2 =	vsel vm4, $0x4, v2  }
0x4a: {  	s15 =	simm.s32 $0x10;
	v2 =	vsel vm5, $0x5, v2  }
0x4b: {  	v3 =	vmov s15;
	v2 =	vsel vm6, $0x6, v2  }
0x4c: {  	v3 =	vshll.u32 v3, $0x7;
	v2 =	vsel vm7, $0x7, v2  }
0x4d: {  	v5 =	vor.u32 v0, v3  }
0x4e: {  	[tilespmem:s10+$0x0] =	vst v11;
	v9 =	vor.u32 $0x1, v5;
	v6 =	vor.u32 $0x2, v5  }
0x4f: {  	s22 =	simm.s32 $0x20;
	s16 =	simm.s32 $0x8210;
	s19 =	simm.s32 $0x8300;
	v7 =	vor.u32 $0x3, v5;
	v8 =	vor.u32 $0x4, v5;
	v3 =	vor.u32 $0x5, v5;
	[tilespmem:s11+$0x0] =	vst v2;
	v2 =	vpop (erf)  }
0x50: {  	s18 =	simm.s32 $0x8000;
	s17 =	simm.s32 $0x8100;
	s15 =	simm.s32 $0x8310;
	v4 =	vor.u32 $0x6, v5;
	v10 =	vsub.f32 $1.000000000e+00, v2;
	[tilespmem:s12+$0x0] =	vst v2;
	v2 =	vor.u32 $0x7, v5  }
.LBB2_2:
0x51: {  	s18 =	sadd.s32 $0x10, s18;
	s17 =	sadd.s32 $0x10, s17  }
0x52: {  	[tilespmem:s19+$0x0] =	vst v10;
	s21 =	smov.u32 s22;
	s20 =	sadd.s32 $0x10, s22;
	s19 =	smov.u32 s15  }
0x53: {  	p0 =	sne.s32 s22, $0xF0;
	v5 =	vld.idx.msk [tilespmem:v5+s2+$0x0], $0xffff  }
0x54: {  	v9 =	vld.idx.msk [tilespmem:v9+s2+$0x0], $0xffff;
	_ =	sdelay $0x1  }
0x55: {  	v6 =	vld.idx.msk [tilespmem:v6+s2+$0x0], $0xffff;
	_ =	sdelay $0x1  }
0x56: {  	v7 =	vld.idx.msk [tilespmem:v7+s2+$0x0], $0xffff;
	_ =	sdelay $0x1  }
0x57: {  	vm0 =	vgt.f32 v9, v5;
	v8 =	vld.idx.msk [tilespmem:v8+s2+$0x0], $0xffff  }
0x58: {  	v10 =	vsel vm0, v9, v5  }
0x59: {  	vm1 =	vgt.f32 v6, v10;
	v3 =	vld.idx.msk [tilespmem:v3+s2+$0x0], $0xffff  }
0x5a: {  	v10 =	vsel vm1, v6, v10  }
0x5b: {  	vm2 =	vgt.f32 v7, v10;
	v4 =	vld.idx.msk [tilespmem:v4+s2+$0x0], $0xffff  }
0x5c: {  	v10 =	vsel vm2, v7, v10  }
0x5d: {  	vm3 =	vgt.f32 v8, v10;
	v2 =	vld.idx.msk [tilespmem:v2+s2+$0x0], $0xffff  }
0x5e: {  	v10 =	vsel vm3, v8, v10  }
0x5f: {  	v11 =	vsel vm0, $0x1, v1;
	vm0 =	vgt.f32 v3, v10  }
0x60: {  	v11 =	vsel vm1, $0x2, v11;
	v10 =	vsel vm0, v3, v10  }
0x61: {  	v11 =	vsel vm2, $0x3, v11;
	vm1 =	vgt.f32 v4, v10  }
0x62: {  	v11 =	vsel vm3, $0x4, v11;
	v10 =	vsel vm1, v4, v10  }
0x63: {  	v11 =	vsel vm0, $0x5, v11;
	vm0 =	vgt.f32 v2, v10  }
0x64: {  	v11 =	vsel vm1, $0x6, v11;
	vm0 =	vmneg vm0  }
0x65: {  	v10 =	vsel vm0, v10, v2;
	v11 =	vnsel vm0, $0x7, v11  }
0x66: {  	vm2 =	vgt.f32 v5, $-3.000000010e+38;
	vm1 =	vne.s32 v11, $0x0;
	[tilespmem:s18+$0x0] =	vst v11  }
0x67: {  	vm1 =	vmand vm2, vm1  }
0x68: {  	v5 =	vnsel vm1, $0xFF61B1E6, v5  }
0x69: {  	vm1 =	vne.s32 v11, $0x1;
	vm2 =	vgt.f32 v9, v5  }
0x6a: {  	vm1 =	vmand vm1, vm2  }
0x6b: {  	v5 =	vsel vm1, v9, v5;
	v9 =	vsel vm1, $0x1, v1  }
0x6c: {  	vm1 =	vne.s32 v11, $0x2;
	vm2 =	vgt.f32 v6, v5  }
0x6d: {  	vm1 =	vmand vm1, vm2  }
0x6e: {  	v5 =	vsel vm1, v6, v5;
	v6 =	vsel vm1, $0x2, v9  }
0x6f: {  	vm1 =	vne.s32 v11, $0x3;
	vm2 =	vgt.f32 v7, v5  }
0x70: {  	vm1 =	vmand vm1, vm2  }
0x71: {  	v5 =	vsel vm1, v7, v5  }
0x72: {  	vm2 =	vne.s32 v11, $0x4;
	vm3 =	vgt.f32 v8, v5  }
0x73: {  	vm2 =	vmand vm2, vm3  }
0x74: {  	v5 =	vsel vm2, v8, v5  }
0x75: {  	vm3 =	vne.s32 v11, $0x5;
	vm4 =	vgt.f32 v3, v5  }
0x76: {  	vm3 =	vmand vm3, vm4  }
0x77: {  	v3 =	vsel vm3, v3, v5  }
0x78: {  	vm4 =	vne.s32 v11, $0x6;
	vm5 =	vgt.f32 v4, v3  }
0x79: {  	v5 =	vsel vm1, $0x3, v6;
	vm1 =	vmand vm4, vm5  }
0x7a: {  	v5 =	vsel vm2, $0x4, v5;
	v3 =	vsel vm1, v4, v3  }
0x7b: {  	v4 =	vsel vm3, $0x5, v5;
	vm2 =	vgt.f32 v2, v3  }
0x7c: {  	v4 =	vsel vm1, $0x6, v4;
	vm0 =	vmand vm0, vm2  }
0x7d: {  	v2 =	vsel vm0, v2, v3;
	v3 =	vsel vm0, $0x7, v4  }
0x7e: {  	v2 =	vsub.f32 v2, v10;
	[tilespmem:s17+$0x0] =	vst v3;
	_ =	sdelay $0x1  }
0x7f: {  	v2 =	vmul.f32 $1.442695020e+00, v2;
	_ =	sdelay $0x1  }
0x80: {  	(erf) = vpow2.f32 v2;
	_ =	sdelay $0x8  }
0x81: {  	v2 =	vpop (erf)  }
0x82: {  	v2 =	vadd.f32 $1.000000000e+00, v2;
	_ =	sdelay $0x1  }
0x83: {  	(erf) = vrcp.f32 v2;
	_ =	sdelay $0x5  }
0x84: {  	v2 =	vmov s21  }
.Ltmp0:
0x85: {  	v3 =	vshll.u32 v2, $0x7;
	(pc) =	sbr.rel @p0 .LBB2_2-.Ltmp0, $4  }
0x86: {  	v5 =	vor.u32 v0, v3  }
0x87: {  	v9 =	vor.u32 $0x1, v5;
	v6 =	vor.u32 $0x2, v5;
	v7 =	vor.u32 $0x3, v5;
	v2 =	vpop (erf)  }
0x88: {  	v8 =	vor.u32 $0x4, v5;
	v3 =	vor.u32 $0x5, v5;
	v10 =	vsub.f32 $1.000000000e+00, v2;
	[tilespmem:s16+$0x0] =	vst v2  }
0x89: {  	s15 =	sadd.s32 $0x10, s15;
	s22 =	smov.u32 s20;
	v4 =	vor.u32 $0x6, v5;
	v2 =	vor.u32 $0x7, v5;
	s16 =	sadd.s32 $0x10, s16  }
0x8a: {  	_ =	sdelay $0x2  }
0x8b: {  	[tilespmem:s19+$0x0] =	vst v10  }
0x8c: {  	v5 =	vld.idx.msk [tilespmem:v5+s2+$0x0], $0xffff  }
0x8d: {  	v9 =	vld.idx.msk [tilespmem:v9+s2+$0x0], $0xffff;
	_ =	sdelay $0x1  }
0x8e: {  	v6 =	vld.idx.msk [tilespmem:v6+s2+$0x0], $0xffff;
	_ =	sdelay $0x1  }
0x8f: {  	v7 =	vld.idx.msk [tilespmem:v7+s2+$0x0], $0xffff  }
0x90: {  	vm0 =	vgt.f32 v9, v5  }
0x91: {  	v8 =	vld.idx.msk [tilespmem:v8+s2+$0x0], $0xffff;
	v62 =	vsel vm0, v9, v5  }
0x92: {  	vm1 =	vgt.f32 v6, v62  }
0x93: {  	v3 =	vld.idx.msk [tilespmem:v3+s2+$0x0], $0xffff;
	v10 =	vsel vm1, v6, v62  }
0x94: {  	vm2 =	vgt.f32 v7, v10  }
0x95: {  	v4 =	vld.idx.msk [tilespmem:v4+s2+$0x0], $0xffff;
	v10 =	vsel vm2, v7, v10  }
0x96: {  	vm3 =	vgt.f32 v8, v10  }
0x97: {  	v2 =	vld.idx.msk [tilespmem:v2+s2+$0x0], $0xffff;
	v10 =	vsel vm3, v8, v10  }
0x98: {  	v11 =	vsel vm0, $0x1, v1;
	vm14 =	vgt.f32 v3, v10  }
0x99: {  	v11 =	vsel vm1, $0x2, v11;
	v10 =	vsel vm14, v3, v10  }
0x9a: {  	v11 =	vsel vm2, $0x3, v11;
	vm15 =	vgt.f32 v4, v10  }
0x9b: {  	v11 =	vsel vm3, $0x4, v11;
	v10 =	vsel vm15, v4, v10  }
0x9c: {  	v11 =	vsel vm14, $0x5, v11;
	vm4 =	vgt.f32 v2, v10  }
0x9d: {  	v11 =	vsel vm15, $0x6, v11;
	vm0 =	vmneg vm4  }
0x9e: {  	v11 =	vnsel vm0, $0x7, v11  }
0x9f: {  	vm6 =	vgt.f32 v5, $-3.000000010e+38;
	vm5 =	vne.s32 v11, $0x0  }
0xa0: {  	vm1 =	vmand vm6, vm5  }
0xa1: {  	v5 =	vnsel vm1, $0xFF61B1E6, v5  }
0xa2: {  	vm7 =	vne.s32 v11, $0x1;
	vm8 =	vgt.f32 v9, v5  }
0xa3: {  	vm1 =	vmand vm7, vm8  }
0xa4: {  	v5 =	vsel vm1, v9, v5  }
0xa5: {  	vm9 =	vne.s32 v11, $0x2;
	vm10 =	vgt.f32 v6, v5  }
0xa6: {  	vm2 =	vmand vm9, vm10  }
0xa7: {  	v5 =	vsel vm2, v6, v5  }
0xa8: {  	vm11 =	vne.s32 v11, $0x3;
	vm4 =	vgt.f32 v7, v5  }
0xa9: {  	vm3 =	vmand vm11, vm4  }
0xaa: {  	v5 =	vsel vm3, v7, v5  }
0xab: {  	vm12 =	vne.s32 v11, $0x4;
	vm5 =	vgt.f32 v8, v5  }
0xac: {  	vm4 =	vmand vm12, vm5  }
0xad: {  	v5 =	vsel vm4, v8, v5  }
0xae: {  	vm13 =	vne.s32 v11, $0x5;
	vm6 =	vgt.f32 v3, v5  }
0xaf: {  	vm5 =	vmand vm13, vm6  }
0xb0: {  	v3 =	vsel vm5, v3, v5  }
0xb1: {  	vm14 =	vne.s32 v11, $0x6;
	vm7 =	vgt.f32 v4, v3  }
0xb2: {  	vm6 =	vmand vm14, vm7  }
0xb3: {  	v3 =	vsel vm6, v4, v3  }
0xb4: {  	vm15 =	vgt.f32 v2, v3  }
0xb5: {  	vm7 =	vmand vm0, vm15  }
0xb6: {  	v63 =	vsel vm0, v10, v2;
	v2 =	vsel vm7, v2, v3  }
0xb7: {  	v2 =	vsub.f32 v2, v63;
	_ =	sdelay $0x1  }
0xb8: {  	v2 =	vmul.f32 $1.442695020e+00, v2;
	_ =	sdelay $0x1  }
0xb9: {  	(erf) = vpow2.f32 v2;
	_ =	sdelay $0x8  }
0xba: {  	v2 =	vpop (erf)  }
0xbb: {  	v2 =	vadd.f32 $1.000000000e+00, v2;
	_ =	sdelay $0x1  }
0xbc: {  	(erf) = vrcp.f32 v2;
	_ =	sdelay $0x2  }
0xbd: {  	v2 =	vsel vm1, $0x1, v1  }
0xbe: {  	v2 =	vsel vm2, $0x2, v2  }
0xbf: {  	v2 =	vsel vm3, $0x3, v2  }
0xc0: {  	v2 =	vsel vm4, $0x4, v2  }
0xc1: {  	v2 =	vsel vm5, $0x5, v2  }
0xc2: {  	s18 =	sadd.s32 $0x10, s18;
	v2 =	vsel vm6, $0x6, v2  }
0xc3: {  	s17 =	sadd.s32 $0x10, s17;
	[tilespmem:s18+$0x0] =	vst v11;
	v2 =	vsel vm7, $0x7, v2;
	v3 =	vpop (erf)  }
0xc4: {  	[tilespmem:s17+$0x0] =	vst v2;
	v2 =	vsub.f32 $1.000000000e+00, v3  }
0xc5: {  	[tilespmem:s16+$0x0] =	vst v3  }
0xc6: {  	[tilespmem:s15+$0x0] =	vst v2  }
0xc7: {  	[hbm4b:s4+s2] =	stream.linear.scatter [tilespmem:s10], [sflag:$0x1], $0x100, $0x38;
	[tilespmem:$0x8400] =	vst v63  }
0xc8: {  	_ =	swait.ge [sflag:s9], $0x100  }
0xc9: {  	[sflag:s9] =	ssyncset.done $0x0  }
0xca: {  	[sflag:s9] =	ssyncadd.s32 $0xFFFFFF00  }
0xcb: {  	[hbm4b:s5+s2] =	stream.linear.scatter [tilespmem:s11], [sflag:$0x1], $0x100, $0x38;
	[tilespmem:$0x8400] =	vst v63  }
0xcc: {  	_ =	swait.ge [sflag:s9], $0x100  }
0xcd: {  	[sflag:s9] =	ssyncset.done $0x0  }
0xce: {  	[sflag:s9] =	ssyncadd.s32 $0xFFFFFF00  }
0xcf: {  	[hbm4b:s6+s2] =	stream.linear.scatter [tilespmem:s12], [sflag:$0x1], $0x100, $0x38;
	[tilespmem:$0x8400] =	vst v63  }
0xd0: {  	s14 =	sadd.s32 $0x1, s14;
	_ =	swait.ge [sflag:s9], $0x100  }
0xd1: {  	p0 =	sne.s32 s14, s8;
	[sflag:s9] =	ssyncset.done $0x0  }
.Ltmp1:
0xd2: {  	[sflag:s9] =	ssyncadd.s32 $0xFFFFFF00;
	(pc) =	sbr.rel @p0 .LBB2_1-.Ltmp1, $4  }
0xd3: {  	[hbm4b:s7+s2] =	stream.linear.scatter [tilespmem:s13], [sflag:$0x1], $0x100, $0x38;
	[tilespmem:$0x8400] =	vst v63  }
0xd4: {  	_ =	swait.ge [sflag:s9], $0x100  }
0xd5: {  	[sflag:s9] =	ssyncset.done $0x0  }
0xd6: {  	[sflag:s9] =	ssyncadd.s32 $0xFFFFFF00  }
0xd7: {  	_ =	sfence.sel $0x180000  }
0xd8: {  	[bflag:$0x0] =	sbarrier.arrive $0xFFFF  }
0xd9: {  	p0 =	sne.s32 s1, $0x0;
	_ =	strace $0x90000047  }
0xda: {  	s0 =	sadd.s32 @!p0 $0x100000, s0;
	[bflag:$0x2] =	sbarrier.arrive $0xFFFF  }
0xdb: {  	[sflag:s0] =	ssyncadd.tile.s32 @!p0 $0x1;
	_ =	shalt  }
.Lfunc_end2:
_tile_overlayer_lowered:
.L_overlay_start_2:
0xdc: {  	(tag) =	ssettag $0x2  }
0xdd: {  	s0 =	rddreg [dreg:$0x0];
	s2 =	stileid.u32  }
0xde: {  	s1 =	rddreg [dreg:$0x1];
	p0 =	sne.s32 s2, $0x0  }
0xdf: {  	s3 =	rddreg [dreg:$0x2];
	[bflag:$0x3] =	sbarrier.arrive $0xFFFF;
	s2 =	simm.s32 @!p0 $0x1C01  }
0xe0: {  	[timem:s3], [sflag:s2] =	dma.local @!p0 [hbm:s0], s1  }
0xe1: {  	s0 =	simm.s32 @!p0 $0x1  }
0xe2: {  	_ =	swait.ge @!p0 [sflag:s0], s1  }
0xe3: {  	s1 =	ssub.s32 @!p0 $0x0, s1;
	[sflag:s0] =	ssyncset.done @!p0 $0x0  }
0xe4: {  	[sflag:s0] =	ssyncadd.s32 @!p0 s1  }
0xe5: {  	[bflag:$0x3] =	sbarrier.arrive $0xFFFF  }
0xe6: {  	_ =	shalt  }

</sc_bundles>
